<compile_context>
chip_gen: v7x
topology: tpu7x:2x2x1
jax: 0.10.2.dev20260603
libtpu: 0.0.44.dev20260713+nightly
codegen_flags: <defaults>
</compile_context>

<pallas_src>
import functools

import jax
import jax.numpy as jnp
from jax import lax
from jax.experimental import pallas as pl
from jax.experimental.pallas import tpu as pltpu
from jax.experimental.pallas import tpu_sc as plsc

NUM_ITEMS = 100000
EMBED_DIM = 32
BATCH = 16384

_NC = 2
_NS = 16
_CHUNK = 4096
_NCHUNK = BATCH // _CHUNK
_LANES = 16

_mesh = plsc.VectorSubcoreMesh(core_axis_name="c", subcore_axis_name="s")


@functools.partial(
    pl.kernel,
    out_type=jax.ShapeDtypeStruct((EMBED_DIM, BATCH), jnp.float32),
    mesh=_mesh,
    scratch_types=[
        pltpu.VMEM((NUM_ITEMS,), jnp.float32),
        pltpu.VMEM((_NCHUNK, _CHUNK), jnp.int32),
        pltpu.VMEM((2, _CHUNK), jnp.float32),
        pltpu.VMEM_SHARED((BATCH,), jnp.int32),
        pltpu.SemaphoreType.DMA,
        pltpu.SemaphoreType.DMA,
        pltpu.SemaphoreType.DMA,
    ],
    compiler_params=pltpu.CompilerParams(
        use_tc_tiling_on_sc=True, needs_layout_passes=False),
)
def _lookup_t_kernel(idx_hbm, tbl_hbm, out_hbm, row_v, idx_v, val_v,
                     idx_sh, sem_row, sem_idx, sem_out):
    dim = lax.axis_index("s") * _NC + lax.axis_index("c")
    sid = lax.axis_index("s")
    row_cp = pltpu.async_copy(tbl_hbm.at[dim], row_v, sem_row)

    @pl.when(sid == 0)
    def _():
        pltpu.sync_copy(idx_hbm, idx_sh)

    plsc.subcore_barrier()
    idx_cps = [
        pltpu.async_copy(idx_sh.at[pl.ds(c * _CHUNK, _CHUNK)],
                         idx_v.at[c], sem_idx)
        for c in range(_NCHUNK)
    ]
    row_cp.wait()

    out_cps = []
    for c in range(_NCHUNK):
        idx_cps[c].wait()
        if c >= 2:
            out_cps[c - 2].wait()
        buf = c % 2

        @plsc.parallel_loop(0, _CHUNK, step=_LANES, unroll=8)
        def gather16(k, c=c, buf=buf):
            iv = idx_v[c, pl.ds(k, _LANES)]
            val_v[buf, pl.ds(k, _LANES)] = plsc.load_gather(row_v, [iv])
        out_cps.append(
            pltpu.async_copy(val_v.at[buf],
                             out_hbm.at[dim, pl.ds(c * _CHUNK, _CHUNK)],
                             sem_out))
    out_cps[-2].wait()
    out_cps[-1].wait()


def kernel(idx, embedding):
    out_t = _lookup_t_kernel(idx.astype(jnp.int32), embedding.T)
    return out_t.T

# --- scband reference (transcript-rebuilt; emitter-appended) ---
"""Pipeline reference for scband-item-lastfm-51161650430609 (READ-ONLY COPY).

The authoritative reference and input builder live on the scoring server;
editing this copy changes nothing except your own understanding.
"""

import jax, jax.numpy as jnp
import numpy as np

NUM_ITEMS = 100000
EMBED_DIM = 32
BATCH = 16384

def setup_inputs(seed: int = 0) -> dict:
    key = jax.random.key(seed)
    k_idx, k_emb = jax.random.split(key)
    idx = jax.random.randint(k_idx, (BATCH,), 0, NUM_ITEMS, dtype=jnp.int64 if jax.config.jax_enable_x64 else jnp.int32)
    embedding = jax.random.normal(k_emb, (NUM_ITEMS, EMBED_DIM), dtype=jnp.float32)
    return {"idx": idx, "embedding": embedding}

def reference(idx, embedding):
    # Faithful translation: publisher_emb = self.embedding(idx)
    publisher_emb = jnp.take(embedding, idx, axis=0)
    return publisher_emb

if __name__ == "__main__":
    import jax
    _d = setup_inputs()
    print(jax.jit(kernel)(*tuple(_d.values())))

</pallas_src>

<mosaic_0001>
#map = affine_map<(d0, d1) -> (0)>
#map1 = affine_map<(d0, d1) -> (0, 0)>
module attributes {stable_mosaic.version = 14 : i64} {
  func.func @_lookup_t_kernel(%arg0: i32, %arg1: i32, %arg2: memref<16384xi32, #tpu.memory_space<hbm>>, %arg3: memref<32x100000xf32, #tpu.memory_space<hbm>>, %arg4: memref<32x16384xf32, #tpu.memory_space<hbm>>, %arg5: memref<100000xf32, #tpu.memory_space<vmem>>, %arg6: memref<4x4096xi32, #tpu.memory_space<vmem>>, %arg7: memref<2x4096xf32, #tpu.memory_space<vmem>>, %arg8: memref<16384xi32, #tpu.memory_space<vmem_shared>>, %arg9: memref<!tpu.dma_semaphore, #tpu.memory_space<semaphore_mem>>, %arg10: memref<!tpu.dma_semaphore, #tpu.memory_space<semaphore_mem>>, %arg11: memref<!tpu.dma_semaphore, #tpu.memory_space<semaphore_mem>>) attributes {dimension_semantics = [#tpu.dimension_semantics<core_parallel>, #tpu.dimension_semantics<subcore_parallel>], iteration_bounds = array<i64: 2, 16>, scalar_prefetch = 0 : i64, scratch_operands = 7 : i64, tpu.core_type = #tpu.core_type<sc_vector_subcore>, window_params = [{transform_indices = #map}, {transform_indices = #map1}, {transform_indices = #map1}]} {
    %mul3A = arith.constant 2 : i32
    %mul3A_0 = arith.muli %arg1, %mul3A : i32
    %add3A = arith.addi %mul3A_0, %arg0 : i32
    %dma_start3A = arith.constant 0 : i32
    %dma_start3A_1 = tpu.memref_slice %arg3[%add3A, %dma_start3A] : memref<32x100000xf32, #tpu.memory_space<hbm>> -> memref<1x100000xf32, #tpu.memory_space<hbm>>
    %dma_start3A_2 = tpu.memref_squeeze %dma_start3A_1 : memref<1x100000xf32, #tpu.memory_space<hbm>> -> memref<100000xf32, #tpu.memory_space<hbm>>
    %dma_start3A_3 = arith.constant 0 : i32
    %dma_start3A_4 = tpu.memref_slice %arg3[%add3A, %dma_start3A_3] : memref<32x100000xf32, #tpu.memory_space<hbm>> -> memref<1x100000xf32, #tpu.memory_space<hbm>>
    %dma_start3A_5 = tpu.memref_squeeze %dma_start3A_4 : memref<1x100000xf32, #tpu.memory_space<hbm>> -> memref<100000xf32, #tpu.memory_space<hbm>>
    tpu.enqueue_dma source(%dma_start3A_5 : memref<100000xf32, #tpu.memory_space<hbm>>) target(%arg5 : memref<100000xf32, #tpu.memory_space<vmem>>) target_semaphore(%arg9 : memref<!tpu.dma_semaphore, #tpu.memory_space<semaphore_mem>>)
    %eq3A = arith.constant 0 : i32
    %eq3A_6 = arith.cmpi eq, %arg1, %eq3A : i32
    %convert_element_type3A = arith.extui %eq3A_6 : i1 to i32
    %cond3A = arith.constant 0 : i32
    %cond3A_7 = arith.cmpi ne, %convert_element_type3A, %cond3A : i32
    scf.if %cond3A_7 {
      "tpu.region"() ({
        %run_scoped3A = tpu.sem_alloc : memref<!tpu.dma_semaphore, #tpu.memory_space<semaphore_mem>>
        tpu.enqueue_dma source(%arg2 : memref<16384xi32, #tpu.memory_space<hbm>>) target(%arg8 : memref<16384xi32, #tpu.memory_space<vmem_shared>>) target_semaphore(%run_scoped3A : memref<!tpu.dma_semaphore, #tpu.memory_space<semaphore_mem>>)
        tpu.wait_dma2 semaphore(%run_scoped3A : memref<!tpu.dma_semaphore, #tpu.memory_space<semaphore_mem>>) src(%arg2 : memref<16384xi32, #tpu.memory_space<hbm>>) dst(%arg8 : memref<16384xi32, #tpu.memory_space<vmem_shared>>)
        tpu.yield
      }) : () -> ()
    } else {
    }
    %barrier3A = arith.constant 0 : index
    tpu.barrier barrier_id(%barrier3A)
    %dma_start3A_8 = arith.constant 0 : i32
    %dma_start3A_9 = arith.constant 0 : i32
    %dma_start3A_10 = tpu.memref_slice %arg6[%dma_start3A_8, %dma_start3A_9] : memref<4x4096xi32, #tpu.memory_space<vmem>> -> memref<1x4096xi32, #tpu.memory_space<vmem>>
    %dma_start3A_11 = tpu.memref_squeeze %dma_start3A_10 : memref<1x4096xi32, #tpu.memory_space<vmem>> -> memref<4096xi32, #tpu.memory_space<vmem>>
    %dma_start3A_12 = arith.constant 0 : i32
    %dma_start3A_13 = tpu.memref_slice %arg8[%dma_start3A_12] : memref<16384xi32, #tpu.memory_space<vmem_shared>> -> memref<4096xi32, #tpu.memory_space<vmem_shared>>
    %dma_start3A_14 = arith.constant 0 : i32
    %dma_start3A_15 = tpu.memref_slice %arg6[%dma_start3A_8, %dma_start3A_14] : memref<4x4096xi32, #tpu.memory_space<vmem>> -> memref<1x4096xi32, #tpu.memory_space<vmem>>
    %dma_start3A_16 = tpu.memref_squeeze %dma_start3A_15 : memref<1x4096xi32, #tpu.memory_space<vmem>> -> memref<4096xi32, #tpu.memory_space<vmem>>
    %dma_start3A_17 = arith.constant 0 : i32
    %dma_start3A_18 = tpu.memref_slice %arg8[%dma_start3A_17] : memref<16384xi32, #tpu.memory_space<vmem_shared>> -> memref<4096xi32, #tpu.memory_space<vmem_shared>>
    tpu.enqueue_dma source(%dma_start3A_18 : memref<4096xi32, #tpu.memory_space<vmem_shared>>) target(%dma_start3A_16 : memref<4096xi32, #tpu.memory_space<vmem>>) target_semaphore(%arg10 : memref<!tpu.dma_semaphore, #tpu.memory_space<semaphore_mem>>)
    %dma_start3A_19 = arith.constant 1 : i32
    %dma_start3A_20 = arith.constant 0 : i32
    %dma_start3A_21 = tpu.memref_slice %arg6[%dma_start3A_19, %dma_start3A_20] : memref<4x4096xi32, #tpu.memory_space<vmem>> -> memref<1x4096xi32, #tpu.memory_space<vmem>>
    %dma_start3A_22 = tpu.memref_squeeze %dma_start3A_21 : memref<1x4096xi32, #tpu.memory_space<vmem>> -> memref<4096xi32, #tpu.memory_space<vmem>>
    %dma_start3A_23 = arith.constant 4096 : i32
    %dma_start3A_24 = tpu.memref_slice %arg8[%dma_start3A_23] : memref<16384xi32, #tpu.memory_space<vmem_shared>> -> memref<4096xi32, #tpu.memory_space<vmem_shared>>
    %dma_start3A_25 = arith.constant 0 : i32
    %dma_start3A_26 = tpu.memref_slice %arg6[%dma_start3A_19, %dma_start3A_25] : memref<4x4096xi32, #tpu.memory_space<vmem>> -> memref<1x4096xi32, #tpu.memory_space<vmem>>
    %dma_start3A_27 = tpu.memref_squeeze %dma_start3A_26 : memref<1x4096xi32, #tpu.memory_space<vmem>> -> memref<4096xi32, #tpu.memory_space<vmem>>
    %dma_start3A_28 = arith.constant 4096 : i32
    %dma_start3A_29 = tpu.memref_slice %arg8[%dma_start3A_28] : memref<16384xi32, #tpu.memory_space<vmem_shared>> -> memref<4096xi32, #tpu.memory_space<vmem_shared>>
    tpu.enqueue_dma source(%dma_start3A_29 : memref<4096xi32, #tpu.memory_space<vmem_shared>>) target(%dma_start3A_27 : memref<4096xi32, #tpu.memory_space<vmem>>) target_semaphore(%arg10 : memref<!tpu.dma_semaphore, #tpu.memory_space<semaphore_mem>>)
    %dma_start3A_30 = arith.constant 2 : i32
    %dma_start3A_31 = arith.constant 0 : i32
    %dma_start3A_32 = tpu.memref_slice %arg6[%dma_start3A_30, %dma_start3A_31] : memref<4x4096xi32, #tpu.memory_space<vmem>> -> memref<1x4096xi32, #tpu.memory_space<vmem>>
    %dma_start3A_33 = tpu.memref_squeeze %dma_start3A_32 : memref<1x4096xi32, #tpu.memory_space<vmem>> -> memref<4096xi32, #tpu.memory_space<vmem>>
    %dma_start3A_34 = arith.constant 8192 : i32
    %dma_start3A_35 = tpu.memref_slice %arg8[%dma_start3A_34] : memref<16384xi32, #tpu.memory_space<vmem_shared>> -> memref<4096xi32, #tpu.memory_space<vmem_shared>>
    %dma_start3A_36 = arith.constant 0 : i32
    %dma_start3A_37 = tpu.memref_slice %arg6[%dma_start3A_30, %dma_start3A_36] : memref<4x4096xi32, #tpu.memory_space<vmem>> -> memref<1x4096xi32, #tpu.memory_space<vmem>>
    %dma_start3A_38 = tpu.memref_squeeze %dma_start3A_37 : memref<1x4096xi32, #tpu.memory_space<vmem>> -> memref<4096xi32, #tpu.memory_space<vmem>>
    %dma_start3A_39 = arith.constant 8192 : i32
    %dma_start3A_40 = tpu.memref_slice %arg8[%dma_start3A_39] : memref<16384xi32, #tpu.memory_space<vmem_shared>> -> memref<4096xi32, #tpu.memory_space<vmem_shared>>
    tpu.enqueue_dma source(%dma_start3A_40 : memref<4096xi32, #tpu.memory_space<vmem_shared>>) target(%dma_start3A_38 : memref<4096xi32, #tpu.memory_space<vmem>>) target_semaphore(%arg10 : memref<!tpu.dma_semaphore, #tpu.memory_space<semaphore_mem>>)
    %dma_start3A_41 = arith.constant 3 : i32
    %dma_start3A_42 = arith.constant 0 : i32
    %dma_start3A_43 = tpu.memref_slice %arg6[%dma_start3A_41, %dma_start3A_42] : memref<4x4096xi32, #tpu.memory_space<vmem>> -> memref<1x4096xi32, #tpu.memory_space<vmem>>
    %dma_start3A_44 = tpu.memref_squeeze %dma_start3A_43 : memref<1x4096xi32, #tpu.memory_space<vmem>> -> memref<4096xi32, #tpu.memory_space<vmem>>
    %dma_start3A_45 = arith.constant 12288 : i32
    %dma_start3A_46 = tpu.memref_slice %arg8[%dma_start3A_45] : memref<16384xi32, #tpu.memory_space<vmem_shared>> -> memref<4096xi32, #tpu.memory_space<vmem_shared>>
    %dma_start3A_47 = arith.constant 0 : i32
    %dma_start3A_48 = tpu.memref_slice %arg6[%dma_start3A_41, %dma_start3A_47] : memref<4x4096xi32, #tpu.memory_space<vmem>> -> memref<1x4096xi32, #tpu.memory_space<vmem>>
    %dma_start3A_49 = tpu.memref_squeeze %dma_start3A_48 : memref<1x4096xi32, #tpu.memory_space<vmem>> -> memref<4096xi32, #tpu.memory_space<vmem>>
    %dma_start3A_50 = arith.constant 12288 : i32
    %dma_start3A_51 = tpu.memref_slice %arg8[%dma_start3A_50] : memref<16384xi32, #tpu.memory_space<vmem_shared>> -> memref<4096xi32, #tpu.memory_space<vmem_shared>>
    tpu.enqueue_dma source(%dma_start3A_51 : memref<4096xi32, #tpu.memory_space<vmem_shared>>) target(%dma_start3A_49 : memref<4096xi32, #tpu.memory_space<vmem>>) target_semaphore(%arg10 : memref<!tpu.dma_semaphore, #tpu.memory_space<semaphore_mem>>)
    %dma_wait3A = arith.constant 0 : i32
    %dma_wait3A_52 = tpu.memref_slice %arg3[%add3A, %dma_wait3A] : memref<32x100000xf32, #tpu.memory_space<hbm>> -> memref<1x100000xf32, #tpu.memory_space<hbm>>
    %dma_wait3A_53 = tpu.memref_squeeze %dma_wait3A_52 : memref<1x100000xf32, #tpu.memory_space<hbm>> -> memref<100000xf32, #tpu.memory_space<hbm>>
    %dma_wait3A_54 = arith.constant 0 : i32
    %dma_wait3A_55 = tpu.memref_slice %arg3[%add3A, %dma_wait3A_54] : memref<32x100000xf32, #tpu.memory_space<hbm>> -> memref<1x100000xf32, #tpu.memory_space<hbm>>
    %dma_wait3A_56 = tpu.memref_squeeze %dma_wait3A_55 : memref<1x100000xf32, #tpu.memory_space<hbm>> -> memref<100000xf32, #tpu.memory_space<hbm>>
    tpu.wait_dma2 semaphore(%arg9 : memref<!tpu.dma_semaphore, #tpu.memory_space<semaphore_mem>>) src(%dma_wait3A_56 : memref<100000xf32, #tpu.memory_space<hbm>>) dst(%arg5 : memref<100000xf32, #tpu.memory_space<vmem>>)
    %dma_wait3A_57 = arith.constant 0 : i32
    %dma_wait3A_58 = arith.constant 0 : i32
    %dma_wait3A_59 = tpu.memref_slice %arg6[%dma_wait3A_57, %dma_wait3A_58] : memref<4x4096xi32, #tpu.memory_space<vmem>> -> memref<1x4096xi32, #tpu.memory_space<vmem>>
    %dma_wait3A_60 = tpu.memref_squeeze %dma_wait3A_59 : memref<1x4096xi32, #tpu.memory_space<vmem>> -> memref<4096xi32, #tpu.memory_space<vmem>>
    %dma_wait3A_61 = arith.constant 0 : i32
    %dma_wait3A_62 = tpu.memref_slice %arg8[%dma_wait3A_61] : memref<16384xi32, #tpu.memory_space<vmem_shared>> -> memref<4096xi32, #tpu.memory_space<vmem_shared>>
    %dma_wait3A_63 = arith.constant 0 : i32
    %dma_wait3A_64 = tpu.memref_slice %arg6[%dma_wait3A_57, %dma_wait3A_63] : memref<4x4096xi32, #tpu.memory_space<vmem>> -> memref<1x4096xi32, #tpu.memory_space<vmem>>
    %dma_wait3A_65 = tpu.memref_squeeze %dma_wait3A_64 : memref<1x4096xi32, #tpu.memory_space<vmem>> -> memref<4096xi32, #tpu.memory_space<vmem>>
    %dma_wait3A_66 = arith.constant 0 : i32
    %dma_wait3A_67 = tpu.memref_slice %arg8[%dma_wait3A_66] : memref<16384xi32, #tpu.memory_space<vmem_shared>> -> memref<4096xi32, #tpu.memory_space<vmem_shared>>
    tpu.wait_dma2 semaphore(%arg10 : memref<!tpu.dma_semaphore, #tpu.memory_space<semaphore_mem>>) src(%dma_wait3A_67 : memref<4096xi32, #tpu.memory_space<vmem_shared>>) dst(%dma_wait3A_65 : memref<4096xi32, #tpu.memory_space<vmem>>)
    %parallel_loop3A = arith.constant 0 : i32
    %parallel_loop3A_68 = arith.constant 4096 : i32
    %parallel_loop3A_69 = arith.constant 16 : i32
    scf.for %parallel_loop3A_216 = %parallel_loop3A to %parallel_loop3A_68 step %parallel_loop3A_69  : i32 {
      %parallel_loop3A_217 = arith.constant 0 : i32
      %parallel_loop3A_218 = arith.index_cast %parallel_loop3A_217 : i32 to index
      %parallel_loop3A_219 = arith.index_cast %parallel_loop3A_216 : i32 to index
      %parallel_loop3A_220 = tpu.vector_load %arg6[%parallel_loop3A_218, %parallel_loop3A_219] {strides = array<i32>} : memref<4x4096xi32, #tpu.memory_space<vmem>>, vector<16xi32>,
      %parallel_loop3A_221 = tpu.vector_load_idx %arg5[%parallel_loop3A_220] : memref<100000xf32, #tpu.memory_space<vmem>>[vector<16xi32>], vector<16xf32>,
      %parallel_loop3A_222 = arith.constant 0 : i32
      %parallel_loop3A_223 = arith.index_cast %parallel_loop3A_222 : i32 to index
      %parallel_loop3A_224 = arith.index_cast %parallel_loop3A_216 : i32 to index
      %parallel_loop3A_225 = tpu.vector_load %arg7[%parallel_loop3A_223, %parallel_loop3A_224] {strides = array<i32>} : memref<2x4096xf32, #tpu.memory_space<vmem>>, vector<16xf32>,
      tpu.vector_store %arg7[%parallel_loop3A_223, %parallel_loop3A_224], %parallel_loop3A_221 {strides = array<i32>} : memref<2x4096xf32, #tpu.memory_space<vmem>>, vector<16xf32>,
    } {sc.loop_unroll_factor = 8 : i64, sc.parallel_access}
    %dma_start3A_70 = arith.constant 0 : i32
    %dma_start3A_71 = arith.constant 0 : i32
    %dma_start3A_72 = tpu.memref_slice %arg7[%dma_start3A_70, %dma_start3A_71] : memref<2x4096xf32, #tpu.memory_space<vmem>> -> memref<1x4096xf32, #tpu.memory_space<vmem>>
    %dma_start3A_73 = tpu.memref_squeeze %dma_start3A_72 : memref<1x4096xf32, #tpu.memory_space<vmem>> -> memref<4096xf32, #tpu.memory_space<vmem>>
    %dma_start3A_74 = arith.constant 0 : i32
    %dma_start3A_75 = tpu.memref_slice %arg4[%add3A, %dma_start3A_74] : memref<32x16384xf32, #tpu.memory_space<hbm>> -> memref<1x4096xf32, #tpu.memory_space<hbm>>
    %dma_start3A_76 = tpu.memref_squeeze %dma_start3A_75 : memref<1x4096xf32, #tpu.memory_space<hbm>> -> memref<4096xf32, #tpu.memory_space<hbm>>
    %dma_start3A_77 = arith.constant 0 : i32
    %dma_start3A_78 = tpu.memref_slice %arg4[%add3A, %dma_start3A_77] : memref<32x16384xf32, #tpu.memory_space<hbm>> -> memref<1x4096xf32, #tpu.memory_space<hbm>>
    %dma_start3A_79 = tpu.memref_squeeze %dma_start3A_78 : memref<1x4096xf32, #tpu.memory_space<hbm>> -> memref<4096xf32, #tpu.memory_space<hbm>>
    %dma_start3A_80 = arith.constant 0 : i32
    %dma_start3A_81 = tpu.memref_slice %arg7[%dma_start3A_70, %dma_start3A_80] : memref<2x4096xf32, #tpu.memory_space<vmem>> -> memref<1x4096xf32, #tpu.memory_space<vmem>>
    %dma_start3A_82 = tpu.memref_squeeze %dma_start3A_81 : memref<1x4096xf32, #tpu.memory_space<vmem>> -> memref<4096xf32, #tpu.memory_space<vmem>>
    tpu.enqueue_dma source(%dma_start3A_82 : memref<4096xf32, #tpu.memory_space<vmem>>) target(%dma_start3A_79 : memref<4096xf32, #tpu.memory_space<hbm>>) target_semaphore(%arg11 : memref<!tpu.dma_semaphore, #tpu.memory_space<semaphore_mem>>)
    %dma_wait3A_83 = arith.constant 1 : i32
    %dma_wait3A_84 = arith.constant 0 : i32
    %dma_wait3A_85 = tpu.memref_slice %arg6[%dma_wait3A_83, %dma_wait3A_84] : memref<4x4096xi32, #tpu.memory_space<vmem>> -> memref<1x4096xi32, #tpu.memory_space<vmem>>
    %dma_wait3A_86 = tpu.memref_squeeze %dma_wait3A_85 : memref<1x4096xi32, #tpu.memory_space<vmem>> -> memref<4096xi32, #tpu.memory_space<vmem>>
    %dma_wait3A_87 = arith.constant 4096 : i32
    %dma_wait3A_88 = tpu.memref_slice %arg8[%dma_wait3A_87] : memref<16384xi32, #tpu.memory_space<vmem_shared>> -> memref<4096xi32, #tpu.memory_space<vmem_shared>>
    %dma_wait3A_89 = arith.constant 0 : i32
    %dma_wait3A_90 = tpu.memref_slice %arg6[%dma_wait3A_83, %dma_wait3A_89] : memref<4x4096xi32, #tpu.memory_space<vmem>> -> memref<1x4096xi32, #tpu.memory_space<vmem>>
    %dma_wait3A_91 = tpu.memref_squeeze %dma_wait3A_90 : memref<1x4096xi32, #tpu.memory_space<vmem>> -> memref<4096xi32, #tpu.memory_space<vmem>>
    %dma_wait3A_92 = arith.constant 4096 : i32
    %dma_wait3A_93 = tpu.memref_slice %arg8[%dma_wait3A_92] : memref<16384xi32, #tpu.memory_space<vmem_shared>> -> memref<4096xi32, #tpu.memory_space<vmem_shared>>
    tpu.wait_dma2 semaphore(%arg10 : memref<!tpu.dma_semaphore, #tpu.memory_space<semaphore_mem>>) src(%dma_wait3A_93 : memref<4096xi32, #tpu.memory_space<vmem_shared>>) dst(%dma_wait3A_91 : memref<4096xi32, #tpu.memory_space<vmem>>)
    %parallel_loop3A_94 = arith.constant 0 : i32
    %parallel_loop3A_95 = arith.constant 4096 : i32
    %parallel_loop3A_96 = arith.constant 16 : i32
    scf.for %parallel_loop3A_216 = %parallel_loop3A_94 to %parallel_loop3A_95 step %parallel_loop3A_96  : i32 {
      %parallel_loop3A_217 = arith.constant 1 : i32
      %parallel_loop3A_218 = arith.index_cast %parallel_loop3A_217 : i32 to index
      %parallel_loop3A_219 = arith.index_cast %parallel_loop3A_216 : i32 to index
      %parallel_loop3A_220 = tpu.vector_load %arg6[%parallel_loop3A_218, %parallel_loop3A_219] {strides = array<i32>} : memref<4x4096xi32, #tpu.memory_space<vmem>>, vector<16xi32>,
      %parallel_loop3A_221 = tpu.vector_load_idx %arg5[%parallel_loop3A_220] : memref<100000xf32, #tpu.memory_space<vmem>>[vector<16xi32>], vector<16xf32>,
      %parallel_loop3A_222 = arith.constant 1 : i32
      %parallel_loop3A_223 = arith.index_cast %parallel_loop3A_222 : i32 to index
      %parallel_loop3A_224 = arith.index_cast %parallel_loop3A_216 : i32 to index
      %parallel_loop3A_225 = tpu.vector_load %arg7[%parallel_loop3A_223, %parallel_loop3A_224] {strides = array<i32>} : memref<2x4096xf32, #tpu.memory_space<vmem>>, vector<16xf32>,
      tpu.vector_store %arg7[%parallel_loop3A_223, %parallel_loop3A_224], %parallel_loop3A_221 {strides = array<i32>} : memref<2x4096xf32, #tpu.memory_space<vmem>>, vector<16xf32>,
    } {sc.loop_unroll_factor = 8 : i64, sc.parallel_access}
    %dma_start3A_97 = arith.constant 1 : i32
    %dma_start3A_98 = arith.constant 0 : i32
    %dma_start3A_99 = tpu.memref_slice %arg7[%dma_start3A_97, %dma_start3A_98] : memref<2x4096xf32, #tpu.memory_space<vmem>> -> memref<1x4096xf32, #tpu.memory_space<vmem>>
    %dma_start3A_100 = tpu.memref_squeeze %dma_start3A_99 : memref<1x4096xf32, #tpu.memory_space<vmem>> -> memref<4096xf32, #tpu.memory_space<vmem>>
    %dma_start3A_101 = arith.constant 4096 : i32
    %dma_start3A_102 = tpu.memref_slice %arg4[%add3A, %dma_start3A_101] : memref<32x16384xf32, #tpu.memory_space<hbm>> -> memref<1x4096xf32, #tpu.memory_space<hbm>>
    %dma_start3A_103 = tpu.memref_squeeze %dma_start3A_102 : memref<1x4096xf32, #tpu.memory_space<hbm>> -> memref<4096xf32, #tpu.memory_space<hbm>>
    %dma_start3A_104 = arith.constant 4096 : i32
    %dma_start3A_105 = tpu.memref_slice %arg4[%add3A, %dma_start3A_104] : memref<32x16384xf32, #tpu.memory_space<hbm>> -> memref<1x4096xf32, #tpu.memory_space<hbm>>
    %dma_start3A_106 = tpu.memref_squeeze %dma_start3A_105 : memref<1x4096xf32, #tpu.memory_space<hbm>> -> memref<4096xf32, #tpu.memory_space<hbm>>
    %dma_start3A_107 = arith.constant 0 : i32
    %dma_start3A_108 = tpu.memref_slice %arg7[%dma_start3A_97, %dma_start3A_107] : memref<2x4096xf32, #tpu.memory_space<vmem>> -> memref<1x4096xf32, #tpu.memory_space<vmem>>
    %dma_start3A_109 = tpu.memref_squeeze %dma_start3A_108 : memref<1x4096xf32, #tpu.memory_space<vmem>> -> memref<4096xf32, #tpu.memory_space<vmem>>
    tpu.enqueue_dma source(%dma_start3A_109 : memref<4096xf32, #tpu.memory_space<vmem>>) target(%dma_start3A_106 : memref<4096xf32, #tpu.memory_space<hbm>>) target_semaphore(%arg11 : memref<!tpu.dma_semaphore, #tpu.memory_space<semaphore_mem>>)
    %dma_wait3A_110 = arith.constant 2 : i32
    %dma_wait3A_111 = arith.constant 0 : i32
    %dma_wait3A_112 = tpu.memref_slice %arg6[%dma_wait3A_110, %dma_wait3A_111] : memref<4x4096xi32, #tpu.memory_space<vmem>> -> memref<1x4096xi32, #tpu.memory_space<vmem>>
    %dma_wait3A_113 = tpu.memref_squeeze %dma_wait3A_112 : memref<1x4096xi32, #tpu.memory_space<vmem>> -> memref<4096xi32, #tpu.memory_space<vmem>>
    %dma_wait3A_114 = arith.constant 8192 : i32
    %dma_wait3A_115 = tpu.memref_slice %arg8[%dma_wait3A_114] : memref<16384xi32, #tpu.memory_space<vmem_shared>> -> memref<4096xi32, #tpu.memory_space<vmem_shared>>
    %dma_wait3A_116 = arith.constant 0 : i32
    %dma_wait3A_117 = tpu.memref_slice %arg6[%dma_wait3A_110, %dma_wait3A_116] : memref<4x4096xi32, #tpu.memory_space<vmem>> -> memref<1x4096xi32, #tpu.memory_space<vmem>>
    %dma_wait3A_118 = tpu.memref_squeeze %dma_wait3A_117 : memref<1x4096xi32, #tpu.memory_space<vmem>> -> memref<4096xi32, #tpu.memory_space<vmem>>
    %dma_wait3A_119 = arith.constant 8192 : i32
    %dma_wait3A_120 = tpu.memref_slice %arg8[%dma_wait3A_119] : memref<16384xi32, #tpu.memory_space<vmem_shared>> -> memref<4096xi32, #tpu.memory_space<vmem_shared>>
    tpu.wait_dma2 semaphore(%arg10 : memref<!tpu.dma_semaphore, #tpu.memory_space<semaphore_mem>>) src(%dma_wait3A_120 : memref<4096xi32, #tpu.memory_space<vmem_shared>>) dst(%dma_wait3A_118 : memref<4096xi32, #tpu.memory_space<vmem>>)
    %dma_wait3A_121 = arith.constant 0 : i32
    %dma_wait3A_122 = arith.constant 0 : i32
    %dma_wait3A_123 = tpu.memref_slice %arg7[%dma_wait3A_121, %dma_wait3A_122] : memref<2x4096xf32, #tpu.memory_space<vmem>> -> memref<1x4096xf32, #tpu.memory_space<vmem>>
    %dma_wait3A_124 = tpu.memref_squeeze %dma_wait3A_123 : memref<1x4096xf32, #tpu.memory_space<vmem>> -> memref<4096xf32, #tpu.memory_space<vmem>>
    %dma_wait3A_125 = arith.constant 0 : i32
    %dma_wait3A_126 = tpu.memref_slice %arg4[%add3A, %dma_wait3A_125] : memref<32x16384xf32, #tpu.memory_space<hbm>> -> memref<1x4096xf32, #tpu.memory_space<hbm>>
    %dma_wait3A_127 = tpu.memref_squeeze %dma_wait3A_126 : memref<1x4096xf32, #tpu.memory_space<hbm>> -> memref<4096xf32, #tpu.memory_space<hbm>>
    %dma_wait3A_128 = arith.constant 0 : i32
    %dma_wait3A_129 = tpu.memref_slice %arg4[%add3A, %dma_wait3A_128] : memref<32x16384xf32, #tpu.memory_space<hbm>> -> memref<1x4096xf32, #tpu.memory_space<hbm>>
    %dma_wait3A_130 = tpu.memref_squeeze %dma_wait3A_129 : memref<1x4096xf32, #tpu.memory_space<hbm>> -> memref<4096xf32, #tpu.memory_space<hbm>>
    %dma_wait3A_131 = arith.constant 0 : i32
    %dma_wait3A_132 = tpu.memref_slice %arg7[%dma_wait3A_121, %dma_wait3A_131] : memref<2x4096xf32, #tpu.memory_space<vmem>> -> memref<1x4096xf32, #tpu.memory_space<vmem>>
    %dma_wait3A_133 = tpu.memref_squeeze %dma_wait3A_132 : memref<1x4096xf32, #tpu.memory_space<vmem>> -> memref<4096xf32, #tpu.memory_space<vmem>>
    tpu.wait_dma2 semaphore(%arg11 : memref<!tpu.dma_semaphore, #tpu.memory_space<semaphore_mem>>) src(%dma_wait3A_133 : memref<4096xf32, #tpu.memory_space<vmem>>) dst(%dma_wait3A_130 : memref<4096xf32, #tpu.memory_space<hbm>>)
    %parallel_loop3A_134 = arith.constant 0 : i32
    %parallel_loop3A_135 = arith.constant 4096 : i32
    %parallel_loop3A_136 = arith.constant 16 : i32
    scf.for %parallel_loop3A_216 = %parallel_loop3A_134 to %parallel_loop3A_135 step %parallel_loop3A_136  : i32 {
      %parallel_loop3A_217 = arith.constant 2 : i32
      %parallel_loop3A_218 = arith.index_cast %parallel_loop3A_217 : i32 to index
      %parallel_loop3A_219 = arith.index_cast %parallel_loop3A_216 : i32 to index
      %parallel_loop3A_220 = tpu.vector_load %arg6[%parallel_loop3A_218, %parallel_loop3A_219] {strides = array<i32>} : memref<4x4096xi32, #tpu.memory_space<vmem>>, vector<16xi32>,
      %parallel_loop3A_221 = tpu.vector_load_idx %arg5[%parallel_loop3A_220] : memref<100000xf32, #tpu.memory_space<vmem>>[vector<16xi32>], vector<16xf32>,
      %parallel_loop3A_222 = arith.constant 0 : i32
      %parallel_loop3A_223 = arith.index_cast %parallel_loop3A_222 : i32 to index
      %parallel_loop3A_224 = arith.index_cast %parallel_loop3A_216 : i32 to index
      %parallel_loop3A_225 = tpu.vector_load %arg7[%parallel_loop3A_223, %parallel_loop3A_224] {strides = array<i32>} : memref<2x4096xf32, #tpu.memory_space<vmem>>, vector<16xf32>,
      tpu.vector_store %arg7[%parallel_loop3A_223, %parallel_loop3A_224], %parallel_loop3A_221 {strides = array<i32>} : memref<2x4096xf32, #tpu.memory_space<vmem>>, vector<16xf32>,
    } {sc.loop_unroll_factor = 8 : i64, sc.parallel_access}
    %dma_start3A_137 = arith.constant 0 : i32
    %dma_start3A_138 = arith.constant 0 : i32
    %dma_start3A_139 = tpu.memref_slice %arg7[%dma_start3A_137, %dma_start3A_138] : memref<2x4096xf32, #tpu.memory_space<vmem>> -> memref<1x4096xf32, #tpu.memory_space<vmem>>
    %dma_start3A_140 = tpu.memref_squeeze %dma_start3A_139 : memref<1x4096xf32, #tpu.memory_space<vmem>> -> memref<4096xf32, #tpu.memory_space<vmem>>
    %dma_start3A_141 = arith.constant 8192 : i32
    %dma_start3A_142 = tpu.memref_slice %arg4[%add3A, %dma_start3A_141] : memref<32x16384xf32, #tpu.memory_space<hbm>> -> memref<1x4096xf32, #tpu.memory_space<hbm>>
    %dma_start3A_143 = tpu.memref_squeeze %dma_start3A_142 : memref<1x4096xf32, #tpu.memory_space<hbm>> -> memref<4096xf32, #tpu.memory_space<hbm>>
    %dma_start3A_144 = arith.constant 8192 : i32
    %dma_start3A_145 = tpu.memref_slice %arg4[%add3A, %dma_start3A_144] : memref<32x16384xf32, #tpu.memory_space<hbm>> -> memref<1x4096xf32, #tpu.memory_space<hbm>>
    %dma_start3A_146 = tpu.memref_squeeze %dma_start3A_145 : memref<1x4096xf32, #tpu.memory_space<hbm>> -> memref<4096xf32, #tpu.memory_space<hbm>>
    %dma_start3A_147 = arith.constant 0 : i32
    %dma_start3A_148 = tpu.memref_slice %arg7[%dma_start3A_137, %dma_start3A_147] : memref<2x4096xf32, #tpu.memory_space<vmem>> -> memref<1x4096xf32, #tpu.memory_space<vmem>>
    %dma_start3A_149 = tpu.memref_squeeze %dma_start3A_148 : memref<1x4096xf32, #tpu.memory_space<vmem>> -> memref<4096xf32, #tpu.memory_space<vmem>>
    tpu.enqueue_dma source(%dma_start3A_149 : memref<4096xf32, #tpu.memory_space<vmem>>) target(%dma_start3A_146 : memref<4096xf32, #tpu.memory_space<hbm>>) target_semaphore(%arg11 : memref<!tpu.dma_semaphore, #tpu.memory_space<semaphore_mem>>)
    %dma_wait3A_150 = arith.constant 3 : i32
    %dma_wait3A_151 = arith.constant 0 : i32
    %dma_wait3A_152 = tpu.memref_slice %arg6[%dma_wait3A_150, %dma_wait3A_151] : memref<4x4096xi32, #tpu.memory_space<vmem>> -> memref<1x4096xi32, #tpu.memory_space<vmem>>
    %dma_wait3A_153 = tpu.memref_squeeze %dma_wait3A_152 : memref<1x4096xi32, #tpu.memory_space<vmem>> -> memref<4096xi32, #tpu.memory_space<vmem>>
    %dma_wait3A_154 = arith.constant 12288 : i32
    %dma_wait3A_155 = tpu.memref_slice %arg8[%dma_wait3A_154] : memref<16384xi32, #tpu.memory_space<vmem_shared>> -> memref<4096xi32, #tpu.memory_space<vmem_shared>>
    %dma_wait3A_156 = arith.constant 0 : i32
    %dma_wait3A_157 = tpu.memref_slice %arg6[%dma_wait3A_150, %dma_wait3A_156] : memref<4x4096xi32, #tpu.memory_space<vmem>> -> memref<1x4096xi32, #tpu.memory_space<vmem>>
    %dma_wait3A_158 = tpu.memref_squeeze %dma_wait3A_157 : memref<1x4096xi32, #tpu.memory_space<vmem>> -> memref<4096xi32, #tpu.memory_space<vmem>>
    %dma_wait3A_159 = arith.constant 12288 : i32
    %dma_wait3A_160 = tpu.memref_slice %arg8[%dma_wait3A_159] : memref<16384xi32, #tpu.memory_space<vmem_shared>> -> memref<4096xi32, #tpu.memory_space<vmem_shared>>
    tpu.wait_dma2 semaphore(%arg10 : memref<!tpu.dma_semaphore, #tpu.memory_space<semaphore_mem>>) src(%dma_wait3A_160 : memref<4096xi32, #tpu.memory_space<vmem_shared>>) dst(%dma_wait3A_158 : memref<4096xi32, #tpu.memory_space<vmem>>)
    %dma_wait3A_161 = arith.constant 1 : i32
    %dma_wait3A_162 = arith.constant 0 : i32
    %dma_wait3A_163 = tpu.memref_slice %arg7[%dma_wait3A_161, %dma_wait3A_162] : memref<2x4096xf32, #tpu.memory_space<vmem>> -> memref<1x4096xf32, #tpu.memory_space<vmem>>
    %dma_wait3A_164 = tpu.memref_squeeze %dma_wait3A_163 : memref<1x4096xf32, #tpu.memory_space<vmem>> -> memref<4096xf32, #tpu.memory_space<vmem>>
    %dma_wait3A_165 = arith.constant 4096 : i32
    %dma_wait3A_166 = tpu.memref_slice %arg4[%add3A, %dma_wait3A_165] : memref<32x16384xf32, #tpu.memory_space<hbm>> -> memref<1x4096xf32, #tpu.memory_space<hbm>>
    %dma_wait3A_167 = tpu.memref_squeeze %dma_wait3A_166 : memref<1x4096xf32, #tpu.memory_space<hbm>> -> memref<4096xf32, #tpu.memory_space<hbm>>
    %dma_wait3A_168 = arith.constant 4096 : i32
    %dma_wait3A_169 = tpu.memref_slice %arg4[%add3A, %dma_wait3A_168] : memref<32x16384xf32, #tpu.memory_space<hbm>> -> memref<1x4096xf32, #tpu.memory_space<hbm>>
    %dma_wait3A_170 = tpu.memref_squeeze %dma_wait3A_169 : memref<1x4096xf32, #tpu.memory_space<hbm>> -> memref<4096xf32, #tpu.memory_space<hbm>>
    %dma_wait3A_171 = arith.constant 0 : i32
    %dma_wait3A_172 = tpu.memref_slice %arg7[%dma_wait3A_161, %dma_wait3A_171] : memref<2x4096xf32, #tpu.memory_space<vmem>> -> memref<1x4096xf32, #tpu.memory_space<vmem>>
    %dma_wait3A_173 = tpu.memref_squeeze %dma_wait3A_172 : memref<1x4096xf32, #tpu.memory_space<vmem>> -> memref<4096xf32, #tpu.memory_space<vmem>>
    tpu.wait_dma2 semaphore(%arg11 : memref<!tpu.dma_semaphore, #tpu.memory_space<semaphore_mem>>) src(%dma_wait3A_173 : memref<4096xf32, #tpu.memory_space<vmem>>) dst(%dma_wait3A_170 : memref<4096xf32, #tpu.memory_space<hbm>>)
    %parallel_loop3A_174 = arith.constant 0 : i32
    %parallel_loop3A_175 = arith.constant 4096 : i32
    %parallel_loop3A_176 = arith.constant 16 : i32
    scf.for %parallel_loop3A_216 = %parallel_loop3A_174 to %parallel_loop3A_175 step %parallel_loop3A_176  : i32 {
      %parallel_loop3A_217 = arith.constant 3 : i32
      %parallel_loop3A_218 = arith.index_cast %parallel_loop3A_217 : i32 to index
      %parallel_loop3A_219 = arith.index_cast %parallel_loop3A_216 : i32 to index
      %parallel_loop3A_220 = tpu.vector_load %arg6[%parallel_loop3A_218, %parallel_loop3A_219] {strides = array<i32>} : memref<4x4096xi32, #tpu.memory_space<vmem>>, vector<16xi32>,
      %parallel_loop3A_221 = tpu.vector_load_idx %arg5[%parallel_loop3A_220] : memref<100000xf32, #tpu.memory_space<vmem>>[vector<16xi32>], vector<16xf32>,
      %parallel_loop3A_222 = arith.constant 1 : i32
      %parallel_loop3A_223 = arith.index_cast %parallel_loop3A_222 : i32 to index
      %parallel_loop3A_224 = arith.index_cast %parallel_loop3A_216 : i32 to index
      %parallel_loop3A_225 = tpu.vector_load %arg7[%parallel_loop3A_223, %parallel_loop3A_224] {strides = array<i32>} : memref<2x4096xf32, #tpu.memory_space<vmem>>, vector<16xf32>,
      tpu.vector_store %arg7[%parallel_loop3A_223, %parallel_loop3A_224], %parallel_loop3A_221 {strides = array<i32>} : memref<2x4096xf32, #tpu.memory_space<vmem>>, vector<16xf32>,
    } {sc.loop_unroll_factor = 8 : i64, sc.parallel_access}
    %dma_start3A_177 = arith.constant 1 : i32
    %dma_start3A_178 = arith.constant 0 : i32
    %dma_start3A_179 = tpu.memref_slice %arg7[%dma_start3A_177, %dma_start3A_178] : memref<2x4096xf32, #tpu.memory_space<vmem>> -> memref<1x4096xf32, #tpu.memory_space<vmem>>
    %dma_start3A_180 = tpu.memref_squeeze %dma_start3A_179 : memref<1x4096xf32, #tpu.memory_space<vmem>> -> memref<4096xf32, #tpu.memory_space<vmem>>
    %dma_start3A_181 = arith.constant 12288 : i32
    %dma_start3A_182 = tpu.memref_slice %arg4[%add3A, %dma_start3A_181] : memref<32x16384xf32, #tpu.memory_space<hbm>> -> memref<1x4096xf32, #tpu.memory_space<hbm>>
    %dma_start3A_183 = tpu.memref_squeeze %dma_start3A_182 : memref<1x4096xf32, #tpu.memory_space<hbm>> -> memref<4096xf32, #tpu.memory_space<hbm>>
    %dma_start3A_184 = arith.constant 12288 : i32
    %dma_start3A_185 = tpu.memref_slice %arg4[%add3A, %dma_start3A_184] : memref<32x16384xf32, #tpu.memory_space<hbm>> -> memref<1x4096xf32, #tpu.memory_space<hbm>>
    %dma_start3A_186 = tpu.memref_squeeze %dma_start3A_185 : memref<1x4096xf32, #tpu.memory_space<hbm>> -> memref<4096xf32, #tpu.memory_space<hbm>>
    %dma_start3A_187 = arith.constant 0 : i32
    %dma_start3A_188 = tpu.memref_slice %arg7[%dma_start3A_177, %dma_start3A_187] : memref<2x4096xf32, #tpu.memory_space<vmem>> -> memref<1x4096xf32, #tpu.memory_space<vmem>>
    %dma_start3A_189 = tpu.memref_squeeze %dma_start3A_188 : memref<1x4096xf32, #tpu.memory_space<vmem>> -> memref<4096xf32, #tpu.memory_space<vmem>>
    tpu.enqueue_dma source(%dma_start3A_189 : memref<4096xf32, #tpu.memory_space<vmem>>) target(%dma_start3A_186 : memref<4096xf32, #tpu.memory_space<hbm>>) target_semaphore(%arg11 : memref<!tpu.dma_semaphore, #tpu.memory_space<semaphore_mem>>)
    %dma_wait3A_190 = arith.constant 0 : i32
    %dma_wait3A_191 = arith.constant 0 : i32
    %dma_wait3A_192 = tpu.memref_slice %arg7[%dma_wait3A_190, %dma_wait3A_191] : memref<2x4096xf32, #tpu.memory_space<vmem>> -> memref<1x4096xf32, #tpu.memory_space<vmem>>
    %dma_wait3A_193 = tpu.memref_squeeze %dma_wait3A_192 : memref<1x4096xf32, #tpu.memory_space<vmem>> -> memref<4096xf32, #tpu.memory_space<vmem>>
    %dma_wait3A_194 = arith.constant 8192 : i32
    %dma_wait3A_195 = tpu.memref_slice %arg4[%add3A, %dma_wait3A_194] : memref<32x16384xf32, #tpu.memory_space<hbm>> -> memref<1x4096xf32, #tpu.memory_space<hbm>>
    %dma_wait3A_196 = tpu.memref_squeeze %dma_wait3A_195 : memref<1x4096xf32, #tpu.memory_space<hbm>> -> memref<4096xf32, #tpu.memory_space<hbm>>
    %dma_wait3A_197 = arith.constant 8192 : i32
    %dma_wait3A_198 = tpu.memref_slice %arg4[%add3A, %dma_wait3A_197] : memref<32x16384xf32, #tpu.memory_space<hbm>> -> memref<1x4096xf32, #tpu.memory_space<hbm>>
    %dma_wait3A_199 = tpu.memref_squeeze %dma_wait3A_198 : memref<1x4096xf32, #tpu.memory_space<hbm>> -> memref<4096xf32, #tpu.memory_space<hbm>>
    %dma_wait3A_200 = arith.constant 0 : i32
    %dma_wait3A_201 = tpu.memref_slice %arg7[%dma_wait3A_190, %dma_wait3A_200] : memref<2x4096xf32, #tpu.memory_space<vmem>> -> memref<1x4096xf32, #tpu.memory_space<vmem>>
    %dma_wait3A_202 = tpu.memref_squeeze %dma_wait3A_201 : memref<1x4096xf32, #tpu.memory_space<vmem>> -> memref<4096xf32, #tpu.memory_space<vmem>>
    tpu.wait_dma2 semaphore(%arg11 : memref<!tpu.dma_semaphore, #tpu.memory_space<semaphore_mem>>) src(%dma_wait3A_202 : memref<4096xf32, #tpu.memory_space<vmem>>) dst(%dma_wait3A_199 : memref<4096xf32, #tpu.memory_space<hbm>>)
    %dma_wait3A_203 = arith.constant 1 : i32
    %dma_wait3A_204 = arith.constant 0 : i32
    %dma_wait3A_205 = tpu.memref_slice %arg7[%dma_wait3A_203, %dma_wait3A_204] : memref<2x4096xf32, #tpu.memory_space<vmem>> -> memref<1x4096xf32, #tpu.memory_space<vmem>>
    %dma_wait3A_206 = tpu.memref_squeeze %dma_wait3A_205 : memref<1x4096xf32, #tpu.memory_space<vmem>> -> memref<4096xf32, #tpu.memory_space<vmem>>
    %dma_wait3A_207 = arith.constant 12288 : i32
    %dma_wait3A_208 = tpu.memref_slice %arg4[%add3A, %dma_wait3A_207] : memref<32x16384xf32, #tpu.memory_space<hbm>> -> memref<1x4096xf32, #tpu.memory_space<hbm>>
    %dma_wait3A_209 = tpu.memref_squeeze %dma_wait3A_208 : memref<1x4096xf32, #tpu.memory_space<hbm>> -> memref<4096xf32, #tpu.memory_space<hbm>>
    %dma_wait3A_210 = arith.constant 12288 : i32
    %dma_wait3A_211 = tpu.memref_slice %arg4[%add3A, %dma_wait3A_210] : memref<32x16384xf32, #tpu.memory_space<hbm>> -> memref<1x4096xf32, #tpu.memory_space<hbm>>
    %dma_wait3A_212 = tpu.memref_squeeze %dma_wait3A_211 : memref<1x4096xf32, #tpu.memory_space<hbm>> -> memref<4096xf32, #tpu.memory_space<hbm>>
    %dma_wait3A_213 = arith.constant 0 : i32
    %dma_wait3A_214 = tpu.memref_slice %arg7[%dma_wait3A_203, %dma_wait3A_213] : memref<2x4096xf32, #tpu.memory_space<vmem>> -> memref<1x4096xf32, #tpu.memory_space<vmem>>
    %dma_wait3A_215 = tpu.memref_squeeze %dma_wait3A_214 : memref<1x4096xf32, #tpu.memory_space<vmem>> -> memref<4096xf32, #tpu.memory_space<vmem>>
    tpu.wait_dma2 semaphore(%arg11 : memref<!tpu.dma_semaphore, #tpu.memory_space<semaphore_mem>>) src(%dma_wait3A_215 : memref<4096xf32, #tpu.memory_space<vmem>>) dst(%dma_wait3A_212 : memref<4096xf32, #tpu.memory_space<hbm>>)
    return
  }
}

</mosaic_0001>

<sc_bundles>
// kernel: kernel.3.cloned.1.call-start
scs
__scs_entry_jumppad:
0x0: {  	(pc) =	sbr.rel $0x88, $3  }
0x1: {  	(tag) =	ssettag $0x0;
	lr =	simm.s32 $0x1  }
0x2: {  	[smem:$0x3F9F] =	sst lr;
	_ =	strace $0xD0000000  }
0x3: {  	_ = 	snop  }
0x4: {  	_ = 	snop  }
0x5: {  	_ = 	snop  }
0x6: {  	_ = 	snop  }
0x7: {  	_ = 	snop  }
__scs_overlays_trampoline_lowered:
0x8: {  	[smem:$0x3FAE] =	sst s0  }
0x9: {  	[smem:$0x3FAF] =	sst s1  }
0xa: {  	[smem:$0x3FB0] =	sst s2  }
0xb: {  	[smem:$0x3FB1] =	sst s3  }
0xc: {  	[smem:$0x3FB2] =	sst s4  }
0xd: {  	[smem:$0x3FB3] =	sst s5  }
0xe: {  	[smem:$0x3FB4] =	sst s6  }
0xf: {  	[smem:$0x3FB5] =	sst s7  }
0x10: {  	[smem:$0x3FB6] =	sst s8  }
0x11: {  	[smem:$0x3FB7] =	sst s9;
	s0 =	simm.s32 @!p0 $0x0  }
0x12: {  	s1 =	sld [smem:$0x3F9D];
	s0 =	simm.s32 @p0 $0x1  }
0x13: {  	[smem:$0x3FB8] =	sst s0;
	s0 =	simm.s32 @!p1 $0x0  }
0x14: {  	s2 =	sld [smem:$0x3F9C];
	s0 =	simm.s32 @p1 $0x1  }
0x15: {  	[smem:$0x3FB9] =	sst s0;
	s0 =	simm.s32 @!p2 $0x0  }
0x16: {  	s3 =	sld [smem:$0x3FDB];
	s0 =	simm.s32 @p2 $0x1  }
0x17: {  	s4 =	simm.s32 $0x1BF5;
	[smem:$0x3FBB] =	sst s0  }
0x18: {  	s0 =	sld [smem:$0x3F9E];
	_ =	swait.ge [sflag:s4], $0x0  }
0x19: {  	s7 =	sld [smem:$0x3F9F]  }
0x1a: {  	s8 =	sadd.s32 $0xFFFFE003, lr  }
0x1b: {  	s9 =	sadd.s32 $0xFFFFFEF7, lr;
	s5 =	simm.s32 $0xFFFFFFFF;
	p2 =	slt.u32 s8, $0xFFFFF086  }
0x1c: {  	p1 =	slt.u32 s9, $0xF7A;
	s5 =	simm.s32 @!p2 $0x0  }
0x1d: {  	s5 =	simm.s32 @p1 $0x1;
	p0 =	seq.s32 s7, s2  }
0x1e: {  	s7 =	smul.u32 @!p0 $0xF7A, s2;
	p2 =	seq.s32 @!p0 s5, $0x0  }
0x1f: {  	s9 =	smul.u32 $0xF7A, s1;
	s8 =	simm.s32 @!p0 $0x1BF5;
	p2 =	por !p2, p0  }
0x20: {  	[sflag:s8] =	ssyncset.s32 @!p0 $0xFFFFF086;
	s6 =	sadd.s32 @!p0 s3, s7;
	s7 =	simm.s32 @!p0 $0x108  }
0x21: {  	s3 =	sadd.s32 s3, s9;
	s6 =	sadd.s32 @!p0 $0x88, s6;
	s7 =	simm.s32 @p2 $0x1082  }
0x22: {  	[simem:s7], [sflag:s8] =	dma.local @!p0 [hbm:s6], $0xF7A  }
0x23: {  	s9 =	sor.u32 $0xD0000000, s2;
	s6 =	simm.s32 $0x108;
	_ =	swait.ge @!p0 [sflag:s8], $0x0  }
0x24: {  	s3 =	sadd.s32 $0x88, s3;
	s6 =	simm.s32 @!p1 $0x1082;
	[sflag:s4] =	ssyncset.s32 $0xFFFFF086  }
0x25: {  	[simem:s6], [sflag:s4] =	dma.local [hbm:s3], $0xF7A  }
0x26: {  	[smem:$0x3F9F] =	sst s1;
	(tag) =	ssettag s2;
	_ =	strace s9  }
0x27: {  	s1 =	sld [smem:$0x3FAF]  }
0x28: {  	s2 =	sld [smem:$0x3FB0]  }
0x29: {  	s4 =	sld [smem:$0x3FB2]  }
0x2a: {  	p0 =	seq.s32 s5, $0x0;
	s5 =	sld [smem:$0x3FB3]  }
0x2b: {  	s6 =	sld [smem:$0x3FB4]  }
0x2c: {  	s7 =	sld [smem:$0x3FB5]  }
0x2d: {  	s3 =	simm.s32 $0x108;
	s8 =	sld [smem:$0x3FB6]  }
0x2e: {  	s3 =	simm.s32 @!p0 $0x1082;
	s9 =	sld [smem:$0x3FB7]  }
0x2f: {  	lr =	sadd.s32 s0, s3;
	s0 =	sld [smem:$0x3FAE]  }
0x30: {  	s3 =	sld [smem:$0x3FB1]  }
0x31: {  	[smem:$0x3FBA] =	sst s10  }
0x32: {  	s10 =	sld [smem:$0x3FB8];
	_ =	sdelay $0x3  }
0x33: {  	p0 =	seq.s32 s10, $0x1;
	s10 =	sld [smem:$0x3FBA];
	_ =	sdelay $0x3  }
0x34: {  	[smem:$0x3FBA] =	sst s10  }
0x35: {  	s10 =	sld [smem:$0x3FB9];
	_ =	sdelay $0x3  }
0x36: {  	p1 =	seq.s32 s10, $0x1;
	s10 =	sld [smem:$0x3FBA];
	_ =	sdelay $0x3  }
0x37: {  	[smem:$0x3FBA] =	sst s10  }
0x38: {  	s10 =	sld [smem:$0x3FBB]  }
0x39: {  	_ = 	snop;
	(pc) =	sbr.ind lr, $3  }
0x3a: {  	_ = 	snop  }
0x3b: {  	_ = 	snop  }
0x3c: {  	p2 =	seq.s32 s10, $0x1;
	s10 =	sld [smem:$0x3FBA]  }
0x3d: {  	_ =	shalt  }
0x3e: {  	_ =	shalt  }
0x3f: {  	_ =	shalt  }
0x40: {  	_ =	shalt  }
0x41: {  	_ =	shalt  }
0x42: {  	_ =	shalt  }
0x43: {  	_ =	shalt  }
0x44: {  	_ =	shalt  }
0x45: {  	_ =	shalt  }
0x46: {  	_ =	shalt  }
0x47: {  	_ =	shalt  }
0x48: {  	_ =	shalt  }
0x49: {  	_ =	shalt  }
0x4a: {  	_ =	shalt  }
0x4b: {  	_ =	shalt  }
0x4c: {  	_ =	shalt  }
0x4d: {  	_ =	shalt  }
0x4e: {  	_ =	shalt  }
0x4f: {  	_ =	shalt  }
0x50: {  	_ =	shalt  }
0x51: {  	_ =	shalt  }
0x52: {  	_ =	shalt  }
0x53: {  	_ =	shalt  }
0x54: {  	_ =	shalt  }
0x55: {  	_ =	shalt  }
0x56: {  	_ =	shalt  }
0x57: {  	_ =	shalt  }
0x58: {  	_ =	shalt  }
0x59: {  	_ =	shalt  }
0x5a: {  	_ =	shalt  }
0x5b: {  	_ =	shalt  }
0x5c: {  	_ =	shalt  }
0x5d: {  	_ =	shalt  }
0x5e: {  	_ =	shalt  }
0x5f: {  	_ =	shalt  }
0x60: {  	_ =	shalt  }
0x61: {  	_ =	shalt  }
0x62: {  	_ =	shalt  }
0x63: {  	_ =	shalt  }
0x64: {  	_ =	shalt  }
0x65: {  	_ =	shalt  }
0x66: {  	_ =	shalt  }
0x67: {  	_ =	shalt  }
0x68: {  	_ =	shalt  }
0x69: {  	_ =	shalt  }
0x6a: {  	_ =	shalt  }
0x6b: {  	_ =	shalt  }
0x6c: {  	_ =	shalt  }
0x6d: {  	_ =	shalt  }
0x6e: {  	_ =	shalt  }
0x6f: {  	_ =	shalt  }
0x70: {  	_ =	shalt  }
0x71: {  	_ =	shalt  }
0x72: {  	_ =	shalt  }
0x73: {  	_ =	shalt  }
0x74: {  	_ =	shalt  }
0x75: {  	_ =	shalt  }
0x76: {  	_ =	shalt  }
0x77: {  	_ =	shalt  }
0x78: {  	_ =	shalt  }
0x79: {  	_ =	shalt  }
0x7a: {  	_ =	shalt  }
0x7b: {  	_ =	shalt  }
0x7c: {  	_ =	shalt  }
0x7d: {  	_ =	shalt  }
0x7e: {  	_ =	shalt  }
0x7f: {  	_ =	shalt  }
0x80: {  	_ =	shalt  }
0x81: {  	_ =	shalt  }
0x82: {  	_ =	shalt  }
0x83: {  	_ =	shalt  }
0x84: {  	_ =	shalt  }
0x85: {  	_ =	shalt  }
0x86: {  	_ =	shalt  }
0x87: {  	_ =	shalt  }
.Lfunc_end0:
.L_simem_size_0:
called_computation_lowered:
.L_overlay_start_0:
0x88: {  	s2 =	sld [smem:$0x3FD9]  }
0x89: {  	s3 =	sld [smem:$0x3FFE];
	_ =	sdelay $0x1  }
0x8a: {  	s1 =	srdreg.scid  }
0x8b: {  	s0 =	sand.u32 $0x1, s1  }
0x8c: {  	s18 =	sshll.u32 s0, $0xA;
	s2 =	sadd.s32 s3, s2  }
0x8d: {  	s2 =	sadd.s32 s2, s18  }
0x8e: {  	[smem:$0x3FC6] =	sst s2  }
0x8f: {  	_ = 	snop  }
0x90: {  	s2 =	sld [smem:$0x3FC9]  }
0x91: {  	s19 =	sld [smem:$0x3FC8]  }
0x92: {  	s4 =	sld [smem:$0x3FD0];
	(tm) =	ssettm $0x1  }
0x93: {  	s5 =	sld [smem:$0x3FFB];
	_ =	sdelay $0x3  }
0x94: {  	_ =	strace s5  }
0x95: {  	s5 =	sld [smem:$0x3FFC];
	_ =	sdelay $0x3  }
0x96: {  	_ =	strace s5  }
0x97: {  	s5 =	sld [smem:$0x3FFD];
	_ =	sdelay $0x3  }
0x98: {  	_ =	strace s5  }
0x99: {  	_ =	strace $0x8FFFFFFF  }
0x9a: {  	s20 =	sld [smem:$0x3FDB];
	_ =	sdelay $0x1  }
0x9b: {  	s6 =	simm.s32 $_scs_section_size  }
0x9c: {  	s7 =	simm.s32 $_size__tile_overlayer_lowered;
	s8 =	simm.s32 $_tile_overlayer_lowered  }
0x9d: {  	s23 =	simm.s32 $0x1BFF;
	s22 =	sshll.u32 s8, $0x1;
	s5 =	sadd.s32 s6, s20  }
0x9e: {  	s9 =	simm.s32 $0x0;
	s21 =	sshll.u32 s7, $0x1;
	s7 =	sadd.s32 s22, s5  }
0x9f: {  	[timem:s9], [sflag:s23] =	dma.local [hbm:s7], s21  }
0xa0: {  	_ =	swait.ge [sflag:s23], s21  }
0xa1: {  	s6 =	ssub.s32 $0x0, s21;
	[sflag:s23] =	ssyncset.done $0x0  }
0xa2: {  	[sflag:s23] =	ssyncadd.s32 s6;
	_ =	sdelay $0x1  }
0xa3: {  	s24 =	simm.s32 $0x1B8B  }
0xa4: {  	_ =	swait.ge [sflag:s24], $0x1  }
0xa5: {  	[sflag:s24] =	ssyncset.done $0x0  }
0xa6: {  	s25 =	simm.s32 $0x1B8E;
	[sflag:s24] =	ssyncadd.s32 $0xFFFFFFFF  }
0xa7: {  	s26 =	simm.s32 $execute0_lowered;
	[smem:$0x3FD2] =	sst s25  }
0xa8: {  	s6 =	sshll.u32 s26, $0x1;
	_ =	strace $0x80000046;
	[dreg:$0x1] =	wrdreg $0xFFFFFFFF  }
0xa9: {  	s28 =	simm.s32 $_size_execute0_lowered;
	s5 =	sadd.s32 s5, s6;
	[dreg:$0x0] =	wrdreg $0x0  }
0xaa: {  	s6 =	sshll.u32 s28, $0x1;
	[dreg:$0x2] =	wrdreg s5  }
0xab: {  	[dreg:$0x3] =	wrdreg s6  }
0xac: {  	[dreg:$0x4] =	wrdreg $0xC0  }
0xad: {  	_ =	task [dreg:s9], $0x5FFFF  }
0xae: {  	[dreg:$0x1] =	wrdreg $0xFFFFFFFF  }
0xaf: {  	[dreg:$0x0] =	wrdreg $0x60  }
0xb0: {  	[dreg:$0x2] =	wrdreg s2  }
0xb1: {  	[dreg:$0x3] =	wrdreg s19  }
0xb2: {  	[dreg:$0x4] =	wrdreg s4  }
0xb3: {  	[dreg:$0x5] =	wrdreg $0x1E7000  }
0xb4: {  	[dreg:$0x6] =	wrdreg $0x9  }
0xb5: {  	_ =	task.clear_ibuf [dreg:s9], $0x7FFFF;
	_ =	strace $0x90000046  }
0xb6: {  	s29 =	simm.s32 $0x9;
	_ =	strace $0x80000048  }
0xb7: {  	_ =	swait.ge [sflag:s29], $0x1  }
0xb8: {  	[sflag:s29] =	ssyncadd.s32 $0xFFFFFFFF  }
0xb9: {  	_ =	strace $0x90000048  }
0xba: {  	_ =	sfence  }
0xbb: {  	s30 =	sld [smem:$0x0];
	_ =	sdelay $0x2  }
0xbc: {  	s31 =	sshll.u32 s1, $0xD;
	s1 =	sshrl.u32 s1, $0x2  }
0xbd: {  	s3 =	sand.u32 $0x4000, s31;
	s1 =	sadd.s32 s1, s30  }
0xbe: {  	s0 =	sor.u32 s3, s0;
	s1 =	sshll.u32 s1, $0x11  }
0xbf: {  	s0 =	sor.u32 s1, s0  }
0xc0: {  	s0 =	sadd.s32 $0x8F2B, s0  }
0xc1: {  	[sflag:s0] =	ssyncadd.remote.s32 $0x1  }
0xc2: {  	_ =	sfence.sel $0xFFFF  }
0xc3: {  	[dreg:$0x0] =	wrdreg $0xFFFFFFFF;
	(pc) =	sbr.abs _section_cstart, $3  }
0xc4: {  	[dreg:$0x1] =	wrdreg $0xFFFFFFFF  }
0xc5: {  	_ =	task.clear_ibuf [dreg:s9], $0x2FFFF;
	_ =	strace $0x9FFFFFFF  }
0xc6: {  	(tm) =	ssettm $0x7FFFFFFF  }
0xc7: {  	_ =	shalt  }
tec
execute0_lowered:
.L_overlay_start_1:
0x0: {  	(tag) =	ssettag $0x1  }
0x1: {  	s0 =	rddreg [dreg:$0x1]  }
0x2: {  	s1 =	rddreg [dreg:$0x2]  }
0x3: {  	s2 =	rddreg [dreg:$0x3];
	s3 =	simm.s32 $0x0  }
0x4: {  	[smem:$0x7FF] =	sst s3;
	s15 =	sadd.s32 $0x1000, s2  }
0x5: {  	s16 =	sadd.s32 $0x2000, s2;
	_ =	strace $0x80000047;
	[dreg:$0x6] =	wrdreg s15  }
0x6: {  	s17 =	sadd.s32 $0x3000, s2;
	[dreg:$0x7] =	wrdreg s16  }
0x7: {  	s19 =	sadd.s32 $0x80, s2;
	[dreg:$0x8] =	wrdreg s17  }
0x8: {  	s20 =	sadd.s32 $0x100, s2;
	[dreg:$0xa] =	wrdreg s19  }
0x9: {  	s21 =	sadd.s32 $0x180, s2;
	[dreg:$0xb] =	wrdreg s20  }
0xa: {  	s22 =	sadd.s32 $0x200, s2;
	[dreg:$0xc] =	wrdreg s21  }
0xb: {  	s23 =	sadd.s32 $0x280, s2;
	[dreg:$0xd] =	wrdreg s22  }
0xc: {  	s24 =	sadd.s32 $0x300, s2;
	[dreg:$0xe] =	wrdreg s23  }
0xd: {  	s5 =	stileid.u32;
	s25 =	sadd.s32 $0x380, s2;
	[dreg:$0xf] =	wrdreg s24  }
0xe: {  	s6 =	sshrl.u32 s5, $0x2;
	s26 =	sadd.s32 $0x400, s2;
	[dreg:$0x10] =	wrdreg s25  }
0xf: {  	s7 =	sshll.u32 s5, $0x8;
	s12 =	sadd.s32 $0x680, s2;
	[dreg:$0x11] =	wrdreg s26  }
0x10: {  	p0 =	sne.s32 s5, $0x0;
	s5 =	sadd.s32 $0xF00, s2;
	[dreg:$0x16] =	wrdreg s12  }
0x11: {  	s15 =	sadd.s32 $0x800, s2;
	[smem:$0x7B0] =	sst s5  }
0x12: {  	s16 =	sadd.s32 $0x880, s2;
	[dreg:$0x19] =	wrdreg s15  }
0x13: {  	s17 =	sadd.s32 $0x900, s2;
	[dreg:$0x1a] =	wrdreg s16  }
0x14: {  	s19 =	sadd.s32 $0xA00, s2;
	[dreg:$0x1b] =	wrdreg s17  }
0x15: {  	s20 =	sadd.s32 $0xA80, s2;
	[dreg:$0x1d] =	wrdreg s19  }
0x16: {  	s21 =	sadd.s32 $0xB00, s2;
	[dreg:$0x1e] =	wrdreg s20  }
0x17: {  	s22 =	sadd.s32 $0xB80, s2;
	[dreg:$0x1f] =	wrdreg s21  }
0x18: {  	s23 =	sadd.s32 $0xC00, s2;
	[smem:$0x7A9] =	sst s22  }
0x19: {  	s24 =	sadd.s32 $0xC80, s2;
	[smem:$0x7AA] =	sst s23  }
0x1a: {  	s25 =	sadd.s32 $0xD00, s2;
	[smem:$0x7AB] =	sst s24  }
0x1b: {  	s26 =	sadd.s32 $0xD80, s2;
	[smem:$0x7AC] =	sst s25  }
0x1c: {  	s12 =	sadd.s32 $0x1100, s2;
	[smem:$0x7AD] =	sst s26  }
0x1d: {  	s5 =	sadd.s32 $0x1980, s2;
	[smem:$0x7B3] =	sst s12  }
0x1e: {  	s15 =	sadd.s32 $0x1280, s2;
	[smem:$0x7C4] =	sst s5  }
0x1f: {  	s16 =	sadd.s32 $0x1300, s2;
	[smem:$0x7B6] =	sst s15  }
0x20: {  	s17 =	sadd.s32 $0x1380, s2;
	[smem:$0x7B7] =	sst s16  }
0x21: {  	s19 =	sadd.s32 $0x1480, s2;
	[smem:$0x7B8] =	sst s17  }
0x22: {  	s20 =	sadd.s32 $0x1500, s2;
	[smem:$0x7BA] =	sst s19  }
0x23: {  	s21 =	sadd.s32 $0x1580, s2;
	[smem:$0x7BB] =	sst s20  }
0x24: {  	s22 =	sadd.s32 $0x1600, s2;
	[smem:$0x7BC] =	sst s21  }
0x25: {  	s23 =	sadd.s32 $0x1680, s2;
	[smem:$0x7BD] =	sst s22  }
0x26: {  	s4 =	srdreg.scid;
	s24 =	sadd.s32 $0x1700, s2;
	[smem:$0x7BE] =	sst s23  }
0x27: {  	s4 =	sand.u32 $0x1, s4;
	s25 =	sadd.s32 $0x1780, s2;
	[smem:$0x7BF] =	sst s24  }
0x28: {  	s8 =	sshll.u32 s4, $0x7;
	s26 =	sadd.s32 $0x1800, s2;
	[smem:$0x7C0] =	sst s25  }
0x29: {  	s4 =	ssub.s32 $0x2, s4;
	s12 =	sadd.s32 $0x1B00, s2;
	[smem:$0x7C1] =	sst s26  }
0x2a: {  	s13 =	sshrl.u32 s4, $0x1;
	s5 =	sadd.s32 $0x2400, s2;
	[smem:$0x7C7] =	sst s12  }
0x2b: {  	s4 =	ssub.s32 s4, s13;
	s13 =	sadd.s32 $0x700, s2;
	[smem:$0x7D8] =	sst s5  }
0x2c: {  	s15 =	sadd.s32 $0x1C80, s2;
	[dreg:$0x17] =	wrdreg s13  }
0x2d: {  	s16 =	sadd.s32 $0x1D00, s2;
	[smem:$0x7CA] =	sst s15  }
0x2e: {  	s17 =	sadd.s32 $0x1D80, s2;
	[smem:$0x7CB] =	sst s16  }
0x2f: {  	s19 =	sadd.s32 $0x1E80, s2;
	[smem:$0x7CC] =	sst s17  }
0x30: {  	s20 =	sadd.s32 $0x1F00, s2;
	[smem:$0x7CE] =	sst s19  }
0x31: {  	s21 =	sadd.s32 $0x1F80, s2;
	[smem:$0x7CF] =	sst s20  }
0x32: {  	s22 =	sadd.s32 $0x2080, s2;
	[smem:$0x7D0] =	sst s21  }
0x33: {  	s23 =	sadd.s32 $0x2100, s2;
	[smem:$0x7D1] =	sst s22  }
0x34: {  	s24 =	sadd.s32 $0x2180, s2;
	[smem:$0x7D2] =	sst s23  }
0x35: {  	s25 =	sadd.s32 $0x2200, s2;
	[smem:$0x7D3] =	sst s24  }
0x36: {  	s7 =	sand.u32 $0x300, s7;
	s26 =	sadd.s32 $0x2280, s2;
	[smem:$0x7D4] =	sst s25  }
0x37: {  	s9 =	smul.u32 $0xC3800, s6;
	s12 =	sadd.s32 $0x2580, s2;
	[smem:$0x7D5] =	sst s26  }
0x38: {  	s6 =	sshll.u32 s6, $0x11;
	s5 =	sadd.s32 $0x2E00, s2;
	[smem:$0x7DB] =	sst s12  }
0x39: {  	s7 =	sor.u32 s8, s7;
	s18 =	smax.u32 s4, $0x1;
	[smem:$0x7EC] =	sst s5  }
0x3a: {  	s6 =	sor.u32 s6, s7;
	s4 =	sadd.s32 $0x500, s2;
	[dreg:$0x9] =	wrdreg s18  }
0x3b: {  	s14 =	sshrl.u32 s6, $0x3;
	s6 =	sadd.s32 $0x580, s2;
	[dreg:$0x13] =	wrdreg s4  }
0x3c: {  	s13 =	sadd.s32 $0x1180, s2;
	[dreg:$0x14] =	wrdreg s6  }
0x3d: {  	s15 =	sadd.s32 $0x2700, s2;
	[smem:$0x7B4] =	sst s13  }
0x3e: {  	s16 =	sadd.s32 $0x2780, s2;
	[smem:$0x7DE] =	sst s15  }
0x3f: {  	s17 =	sadd.s32 $0x2800, s2;
	[smem:$0x7DF] =	sst s16  }
0x40: {  	s19 =	sadd.s32 $0x2900, s2;
	[smem:$0x7E0] =	sst s17  }
0x41: {  	s20 =	sadd.s32 $0x2980, s2;
	[smem:$0x7E2] =	sst s19  }
0x42: {  	s21 =	sadd.s32 $0x2A00, s2;
	[smem:$0x7E3] =	sst s20  }
0x43: {  	s22 =	sadd.s32 $0x2A80, s2;
	[smem:$0x7E4] =	sst s21  }
0x44: {  	s23 =	sadd.s32 $0x2B00, s2;
	[smem:$0x7E5] =	sst s22  }
0x45: {  	s24 =	sadd.s32 $0x2B80, s2;
	[smem:$0x7E6] =	sst s23  }
0x46: {  	s25 =	sadd.s32 $0x2C00, s2;
	[smem:$0x7E7] =	sst s24  }
0x47: {  	s8 =	sor.u32 s9, s7;
	s26 =	sadd.s32 $0x2C80, s2;
	[smem:$0x7E8] =	sst s25  }
0x48: {  	s8 =	sshrl.u32 s8, $0x3;
	s12 =	sadd.s32 $0x2F80, s2;
	[smem:$0x7E9] =	sst s26  }
0x49: {  	s0 =	sadd.s32 s0, s8;
	[smem:$0x7EF] =	sst s12  }
0x4a: {  	s7 =	sadd.s32 s1, s14;
	s1 =	sadd.s32 $0x480, s2;
	[dreg:$0x5] =	wrdreg s0  }
0x4b: {  	s8 =	sadd.s32 $0x600, s2;
	[dreg:$0x12] =	wrdreg s1  }
0x4c: {  	s14 =	sadd.s32 $0x780, s2;
	[dreg:$0x15] =	wrdreg s8  }
0x4d: {  	s18 =	sadd.s32 $0x980, s2;
	[dreg:$0x18] =	wrdreg s14  }
0x4e: {  	s4 =	sadd.s32 $0xE80, s2;
	[dreg:$0x1c] =	wrdreg s18  }
0x4f: {  	s6 =	sadd.s32 $0xF80, s2;
	[smem:$0x7AF] =	sst s4  }
0x50: {  	s13 =	sadd.s32 $0x1B80, s2;
	[smem:$0x7B1] =	sst s6  }
0x51: {  	s15 =	sadd.s32 $0x3180, s2;
	[smem:$0x7C8] =	sst s13  }
0x52: {  	s16 =	sadd.s32 $0x3200, s2;
	[smem:$0x7F2] =	sst s15  }
0x53: {  	s17 =	sadd.s32 $0x3280, s2;
	[smem:$0x7F3] =	sst s16  }
0x54: {  	s19 =	sadd.s32 $0x3380, s2;
	[smem:$0x7F4] =	sst s17  }
0x55: {  	s20 =	sadd.s32 $0x3400, s2;
	[smem:$0x7F6] =	sst s19  }
0x56: {  	s21 =	sadd.s32 $0x3480, s2;
	[smem:$0x7F7] =	sst s20  }
0x57: {  	s22 =	sadd.s32 $0x3500, s2;
	[smem:$0x7F8] =	sst s21  }
0x58: {  	s23 =	sadd.s32 $0x3580, s2;
	[smem:$0x7F9] =	sst s22  }
0x59: {  	s24 =	sadd.s32 $0x3600, s2;
	[smem:$0x7FA] =	sst s23  }
0x5a: {  	s25 =	sadd.s32 $0x3680, s2;
	[smem:$0x7FB] =	sst s24  }
0x5b: {  	s26 =	sadd.s32 $0x3700, s2;
	[smem:$0x7FC] =	sst s25  }
0x5c: {  	s1 =	sadd.s32 $0xE00, s2;
	[smem:$0x7FD] =	sst s26  }
0x5d: {  	s8 =	sadd.s32 $0x1080, s2;
	[smem:$0x7AE] =	sst s1  }
0x5e: {  	s14 =	sadd.s32 $0x1200, s2;
	[smem:$0x7B2] =	sst s8  }
0x5f: {  	s18 =	sadd.s32 $0x1400, s2;
	[smem:$0x7B5] =	sst s14  }
0x60: {  	s4 =	sadd.s32 $0x1900, s2;
	[smem:$0x7B9] =	sst s18  }
0x61: {  	s28 =	sadd.s32 $0x3B00, s2;
	s6 =	sadd.s32 $0x1A00, s2;
	[smem:$0x7C3] =	sst s4  }
0x62: {  	s29 =	sadd.s32 $0x3B80, s2;
	s13 =	sadd.s32 $0x2600, s2;
	[smem:$0x7C5] =	sst s6  }
0x63: {  	s30 =	sadd.s32 $0x3C00, s2;
	s1 =	sadd.s32 $0x1880, s2;
	[smem:$0x7DC] =	sst s13  }
0x64: {  	s31 =	sadd.s32 $0x3C80, s2;
	s8 =	sadd.s32 $0x1A80, s2;
	[smem:$0x7C2] =	sst s1  }
0x65: {  	s5 =	sadd.s32 $0x3E80, s2;
	s14 =	sadd.s32 $0x1C00, s2;
	[smem:$0x7C6] =	sst s8  }
0x66: {  	s12 =	simm.s32 $0x1;
	s18 =	sadd.s32 $0x1E00, s2;
	[smem:$0x7C9] =	sst s14  }
0x67: {  	s9 =	sadd.s32 $0x1000, s7;
	s4 =	sadd.s32 $0x2380, s2;
	[smem:$0x7CD] =	sst s18  }
0x68: {  	s10 =	sadd.s32 $0x2000, s7;
	s6 =	sadd.s32 $0x2480, s2;
	[smem:$0x7D7] =	sst s4  }
0x69: {  	s11 =	sadd.s32 $0x3000, s7;
	s13 =	sadd.s32 $0x3080, s2;
	[smem:$0x7D9] =	sst s6  }
0x6a: {  	s20 =	sadd.s32 $0x3780, s2;
	s1 =	sadd.s32 $0x2300, s2;
	[smem:$0x7F0] =	sst s13  }
0x6b: {  	s21 =	sadd.s32 $0x3800, s2;
	s8 =	sadd.s32 $0x2500, s2;
	[smem:$0x7D6] =	sst s1  }
0x6c: {  	s22 =	sadd.s32 $0x3880, s2;
	s14 =	sadd.s32 $0x2680, s2;
	[smem:$0x7DA] =	sst s8  }
0x6d: {  	s23 =	sadd.s32 $0x3900, s2;
	s18 =	sadd.s32 $0x2880, s2;
	[smem:$0x7DD] =	sst s14  }
0x6e: {  	s24 =	sadd.s32 $0x3980, s2;
	s4 =	sadd.s32 $0x2D80, s2;
	[smem:$0x7E1] =	sst s18  }
0x6f: {  	s25 =	sadd.s32 $0x3A00, s2;
	s6 =	sadd.s32 $0x2E80, s2;
	[smem:$0x7EB] =	sst s4  }
0x70: {  	s26 =	sadd.s32 $0x3A80, s2;
	s1 =	sadd.s32 $0x2D00, s2;
	[smem:$0x7ED] =	sst s6  }
0x71: {  	s0 =	sadd.s32 $0x3D00, s2;
	s8 =	sadd.s32 $0x2F00, s2;
	[smem:$0x7EA] =	sst s1  }
0x72: {  	s15 =	simm.s32 $0x0;
	s14 =	sadd.s32 $0x3100, s2;
	[smem:$0x7EE] =	sst s8  }
0x73: {  	s13 =	simm.s32 $0x2;
	s18 =	sadd.s32 $0x3300, s2;
	[smem:$0x7F1] =	sst s14  }
0x74: {  	s4 =	sadd.s32 $0x3E00, s2;
	s6 =	sadd.s32 $0x3F00, s2;
	[smem:$0x7F5] =	sst s18  }
0x75: {  	s1 =	sadd.s32 $0x3D80, s2;
	s8 =	sadd.s32 $0x3F80, s2;
	s14 =	simm.s32 $0x3  }
.LBB2_1:
0x76: {  	s16 =	rddreg [dreg:$0x5];
	s17 =	simm.s32 $0x80;
	s18 =	simm.s32 $0x400  }
0x77: {  	[tilespmem:s3], [sflag:$0x1] =	stream.strided.gather [hbm4b:s16+s17], $0x18700, s18, s17, $0x38;
	[tilespmem:$0x1EB00] =	vst v63  }
0x78: {  	s16 =	sshrl.u32 @!p0 s2, $0x3;
	s17 =	simm.s32 @!p0 $0x1C04;
	s18 =	rddreg [dreg:$0x0]  }
0x79: {  	[spmem:s16], [sflag:s17] =	dma.local @!p0 [hbm:s18], $0x800  }
0x7a: {  	s16 =	simm.s32 @!p0 $0x4  }
0x7b: {  	_ =	swait.ge @!p0 [sflag:s16], $0x800  }
0x7c: {  	[sflag:s16] =	ssyncset.done @!p0 $0x0  }
0x7d: {  	[sflag:s16] =	ssyncadd.s32 @!p0 $0xFFFFF800  }
0x7e: {  	s17 =	simm.s32 $0x18700;
	[bflag:$0x0] =	sbarrier.arrive $0xFFFF  }
0x7f: {  	[tilespmem:s17], [sflag:$0x2] =	stream.linear.gather [spmem:s2], $0x80, $0x38;
	[tilespmem:$0x1EB00] =	vst v63  }
0x80: {  	s19 =	simm.s32 $0x18900;
	s18 =	rddreg [dreg:$0xa]  }
0x81: {  	[tilespmem:s19], [sflag:$0x2] =	stream.linear.gather [spmem:s18], $0x80, $0x38;
	[tilespmem:$0x1EB00] =	vst v63  }
0x82: {  	s18 =	rddreg [dreg:$0xb];
	s19 =	simm.s32 $0x18B00  }
0x83: {  	[tilespmem:s19], [sflag:$0x2] =	stream.linear.gather [spmem:s18], $0x80, $0x38;
	[tilespmem:$0x1EB00] =	vst v63  }
0x84: {  	s18 =	rddreg [dreg:$0xc];
	s19 =	simm.s32 $0x18D00  }
0x85: {  	[tilespmem:s19], [sflag:$0x2] =	stream.linear.gather [spmem:s18], $0x80, $0x38;
	[tilespmem:$0x1EB00] =	vst v63  }
0x86: {  	s18 =	rddreg [dreg:$0xd];
	s19 =	simm.s32 $0x18F00  }
0x87: {  	[tilespmem:s19], [sflag:$0x2] =	stream.linear.gather [spmem:s18], $0x80, $0x38;
	[tilespmem:$0x1EB00] =	vst v63  }
0x88: {  	s18 =	rddreg [dreg:$0xe];
	s19 =	simm.s32 $0x19100  }
0x89: {  	[tilespmem:s19], [sflag:$0x2] =	stream.linear.gather [spmem:s18], $0x80, $0x38;
	[tilespmem:$0x1EB00] =	vst v63  }
0x8a: {  	s18 =	rddreg [dreg:$0xf];
	s19 =	simm.s32 $0x19300  }
0x8b: {  	[tilespmem:s19], [sflag:$0x2] =	stream.linear.gather [spmem:s18], $0x80, $0x38;
	[tilespmem:$0x1EB00] =	vst v63  }
0x8c: {  	s18 =	rddreg [dreg:$0x10];
	s19 =	simm.s32 $0x19500  }
0x8d: {  	[tilespmem:s19], [sflag:$0x2] =	stream.linear.gather [spmem:s18], $0x80, $0x38;
	[tilespmem:$0x1EB00] =	vst v63  }
0x8e: {  	s18 =	rddreg [dreg:$0x11];
	s19 =	simm.s32 $0x19700  }
0x8f: {  	[tilespmem:s19], [sflag:$0x2] =	stream.linear.gather [spmem:s18], $0x80, $0x38;
	[tilespmem:$0x1EB00] =	vst v63  }
0x90: {  	s18 =	rddreg [dreg:$0x12];
	s19 =	simm.s32 $0x19900  }
0x91: {  	[tilespmem:s19], [sflag:$0x2] =	stream.linear.gather [spmem:s18], $0x80, $0x38;
	[tilespmem:$0x1EB00] =	vst v63  }
0x92: {  	s18 =	rddreg [dreg:$0x13];
	s19 =	simm.s32 $0x19B00  }
0x93: {  	[tilespmem:s19], [sflag:$0x2] =	stream.linear.gather [spmem:s18], $0x80, $0x38;
	[tilespmem:$0x1EB00] =	vst v63  }
0x94: {  	s18 =	rddreg [dreg:$0x14];
	s19 =	simm.s32 $0x19D00  }
0x95: {  	[tilespmem:s19], [sflag:$0x2] =	stream.linear.gather [spmem:s18], $0x80, $0x38;
	[tilespmem:$0x1EB00] =	vst v63  }
0x96: {  	s18 =	rddreg [dreg:$0x15];
	s19 =	simm.s32 $0x19F00  }
0x97: {  	[tilespmem:s19], [sflag:$0x2] =	stream.linear.gather [spmem:s18], $0x80, $0x38;
	[tilespmem:$0x1EB00] =	vst v63  }
0x98: {  	s18 =	rddreg [dreg:$0x16];
	s19 =	simm.s32 $0x1A100  }
0x99: {  	[tilespmem:s19], [sflag:$0x2] =	stream.linear.gather [spmem:s18], $0x80, $0x38;
	[tilespmem:$0x1EB00] =	vst v63  }
0x9a: {  	s18 =	rddreg [dreg:$0x17];
	s19 =	simm.s32 $0x1A300  }
0x9b: {  	[tilespmem:s19], [sflag:$0x2] =	stream.linear.gather [spmem:s18], $0x80, $0x38;
	[tilespmem:$0x1EB00] =	vst v63  }
0x9c: {  	s18 =	rddreg [dreg:$0x18];
	s19 =	simm.s32 $0x1A500  }
0x9d: {  	[tilespmem:s19], [sflag:$0x2] =	stream.linear.gather [spmem:s18], $0x80, $0x38;
	[tilespmem:$0x1EB00] =	vst v63  }
0x9e: {  	s18 =	rddreg [dreg:$0x19];
	s19 =	simm.s32 $0x1A700  }
0x9f: {  	[tilespmem:s19], [sflag:$0x2] =	stream.linear.gather [spmem:s18], $0x80, $0x38;
	[tilespmem:$0x1EB00] =	vst v63  }
0xa0: {  	s18 =	rddreg [dreg:$0x1a];
	s19 =	simm.s32 $0x1A900  }
0xa1: {  	[tilespmem:s19], [sflag:$0x2] =	stream.linear.gather [spmem:s18], $0x80, $0x38;
	[tilespmem:$0x1EB00] =	vst v63  }
0xa2: {  	s18 =	rddreg [dreg:$0x1b];
	s19 =	simm.s32 $0x1AB00  }
0xa3: {  	[tilespmem:s19], [sflag:$0x2] =	stream.linear.gather [spmem:s18], $0x80, $0x38;
	[tilespmem:$0x1EB00] =	vst v63  }
0xa4: {  	s18 =	rddreg [dreg:$0x1c];
	s19 =	simm.s32 $0x1AD00  }
0xa5: {  	[tilespmem:s19], [sflag:$0x2] =	stream.linear.gather [spmem:s18], $0x80, $0x38;
	[tilespmem:$0x1EB00] =	vst v63  }
0xa6: {  	s18 =	rddreg [dreg:$0x1d];
	s19 =	simm.s32 $0x1AF00  }
0xa7: {  	[tilespmem:s19], [sflag:$0x2] =	stream.linear.gather [spmem:s18], $0x80, $0x38;
	[tilespmem:$0x1EB00] =	vst v63  }
0xa8: {  	s18 =	rddreg [dreg:$0x1e];
	s19 =	simm.s32 $0x1B100  }
0xa9: {  	[tilespmem:s19], [sflag:$0x2] =	stream.linear.gather [spmem:s18], $0x80, $0x38;
	[tilespmem:$0x1EB00] =	vst v63  }
0xaa: {  	s18 =	rddreg [dreg:$0x1f];
	s19 =	simm.s32 $0x1B300  }
0xab: {  	[tilespmem:s19], [sflag:$0x2] =	stream.linear.gather [spmem:s18], $0x80, $0x38;
	[tilespmem:$0x1EB00] =	vst v63  }
0xac: {  	s18 =	sld [smem:$0x7A9];
	_ =	sdelay $0x1  }
0xad: {  	s19 =	simm.s32 $0x1B500  }
0xae: {  	[tilespmem:s19], [sflag:$0x2] =	stream.linear.gather [spmem:s18], $0x80, $0x38;
	[tilespmem:$0x1EB00] =	vst v63  }
0xaf: {  	s18 =	sld [smem:$0x7AA];
	_ =	sdelay $0x1  }
0xb0: {  	s19 =	simm.s32 $0x1B700  }
0xb1: {  	[tilespmem:s19], [sflag:$0x2] =	stream.linear.gather [spmem:s18], $0x80, $0x38;
	[tilespmem:$0x1EB00] =	vst v63  }
0xb2: {  	s18 =	sld [smem:$0x7AB];
	_ =	sdelay $0x1  }
0xb3: {  	s19 =	simm.s32 $0x1B900  }
0xb4: {  	[tilespmem:s19], [sflag:$0x2] =	stream.linear.gather [spmem:s18], $0x80, $0x38;
	[tilespmem:$0x1EB00] =	vst v63  }
0xb5: {  	s18 =	sld [smem:$0x7AC];
	_ =	sdelay $0x1  }
0xb6: {  	s19 =	simm.s32 $0x1BB00  }
0xb7: {  	[tilespmem:s19], [sflag:$0x2] =	stream.linear.gather [spmem:s18], $0x80, $0x38;
	[tilespmem:$0x1EB00] =	vst v63  }
0xb8: {  	s18 =	sld [smem:$0x7AD];
	_ =	sdelay $0x1  }
0xb9: {  	s19 =	simm.s32 $0x1BD00  }
0xba: {  	[tilespmem:s19], [sflag:$0x2] =	stream.linear.gather [spmem:s18], $0x80, $0x38;
	[tilespmem:$0x1EB00] =	vst v63  }
0xbb: {  	s18 =	sld [smem:$0x7AE];
	_ =	sdelay $0x1  }
0xbc: {  	s19 =	simm.s32 $0x1BF00  }
0xbd: {  	[tilespmem:s19], [sflag:$0x2] =	stream.linear.gather [spmem:s18], $0x80, $0x38;
	[tilespmem:$0x1EB00] =	vst v63  }
0xbe: {  	s18 =	sld [smem:$0x7AF];
	_ =	sdelay $0x1  }
0xbf: {  	s19 =	simm.s32 $0x1C100  }
0xc0: {  	[tilespmem:s19], [sflag:$0x2] =	stream.linear.gather [spmem:s18], $0x80, $0x38;
	[tilespmem:$0x1EB00] =	vst v63  }
0xc1: {  	s18 =	sld [smem:$0x7B0];
	_ =	sdelay $0x1  }
0xc2: {  	s19 =	simm.s32 $0x1C300  }
0xc3: {  	[tilespmem:s19], [sflag:$0x2] =	stream.linear.gather [spmem:s18], $0x80, $0x38;
	[tilespmem:$0x1EB00] =	vst v63  }
0xc4: {  	s18 =	sld [smem:$0x7B1];
	_ =	sdelay $0x1  }
0xc5: {  	s19 =	simm.s32 $0x1C500  }
0xc6: {  	[tilespmem:s19], [sflag:$0x2] =	stream.linear.gather [spmem:s18], $0x80, $0x38;
	[tilespmem:$0x1EB00] =	vst v63  }
0xc7: {  	s18 =	rddreg [dreg:$0x6];
	s19 =	simm.s32 $0x18780  }
0xc8: {  	[tilespmem:s19], [sflag:$0x2] =	stream.linear.gather [spmem:s18], $0x80, $0x38;
	[tilespmem:$0x1EB00] =	vst v63  }
0xc9: {  	s18 =	sld [smem:$0x7B2];
	_ =	sdelay $0x1  }
0xca: {  	s19 =	simm.s32 $0x18980  }
0xcb: {  	[tilespmem:s19], [sflag:$0x2] =	stream.linear.gather [spmem:s18], $0x80, $0x38;
	[tilespmem:$0x1EB00] =	vst v63  }
0xcc: {  	s18 =	sld [smem:$0x7B3];
	_ =	sdelay $0x1  }
0xcd: {  	s19 =	simm.s32 $0x18B80  }
0xce: {  	[tilespmem:s19], [sflag:$0x2] =	stream.linear.gather [spmem:s18], $0x80, $0x38;
	[tilespmem:$0x1EB00] =	vst v63  }
0xcf: {  	s18 =	sld [smem:$0x7B4];
	_ =	sdelay $0x1  }
0xd0: {  	s19 =	simm.s32 $0x18D80  }
0xd1: {  	[tilespmem:s19], [sflag:$0x2] =	stream.linear.gather [spmem:s18], $0x80, $0x38;
	[tilespmem:$0x1EB00] =	vst v63  }
0xd2: {  	s18 =	sld [smem:$0x7B5];
	_ =	sdelay $0x1  }
0xd3: {  	s19 =	simm.s32 $0x18F80  }
0xd4: {  	[tilespmem:s19], [sflag:$0x2] =	stream.linear.gather [spmem:s18], $0x80, $0x38;
	[tilespmem:$0x1EB00] =	vst v63  }
0xd5: {  	s18 =	sld [smem:$0x7B6];
	_ =	sdelay $0x1  }
0xd6: {  	s19 =	simm.s32 $0x19180  }
0xd7: {  	[tilespmem:s19], [sflag:$0x2] =	stream.linear.gather [spmem:s18], $0x80, $0x38;
	[tilespmem:$0x1EB00] =	vst v63  }
0xd8: {  	s18 =	sld [smem:$0x7B7];
	_ =	sdelay $0x1  }
0xd9: {  	s19 =	simm.s32 $0x19380  }
0xda: {  	[tilespmem:s19], [sflag:$0x2] =	stream.linear.gather [spmem:s18], $0x80, $0x38;
	[tilespmem:$0x1EB00] =	vst v63  }
0xdb: {  	s18 =	sld [smem:$0x7B8];
	_ =	sdelay $0x1  }
0xdc: {  	s19 =	simm.s32 $0x19580  }
0xdd: {  	[tilespmem:s19], [sflag:$0x2] =	stream.linear.gather [spmem:s18], $0x80, $0x38;
	[tilespmem:$0x1EB00] =	vst v63  }
0xde: {  	s18 =	sld [smem:$0x7B9];
	_ =	sdelay $0x1  }
0xdf: {  	s19 =	simm.s32 $0x19780  }
0xe0: {  	[tilespmem:s19], [sflag:$0x2] =	stream.linear.gather [spmem:s18], $0x80, $0x38;
	[tilespmem:$0x1EB00] =	vst v63  }
0xe1: {  	s18 =	sld [smem:$0x7BA];
	_ =	sdelay $0x1  }
0xe2: {  	s19 =	simm.s32 $0x19980  }
0xe3: {  	[tilespmem:s19], [sflag:$0x2] =	stream.linear.gather [spmem:s18], $0x80, $0x38;
	[tilespmem:$0x1EB00] =	vst v63  }
0xe4: {  	s18 =	sld [smem:$0x7BB];
	_ =	sdelay $0x1  }
0xe5: {  	s19 =	simm.s32 $0x19B80  }
0xe6: {  	[tilespmem:s19], [sflag:$0x2] =	stream.linear.gather [spmem:s18], $0x80, $0x38;
	[tilespmem:$0x1EB00] =	vst v63  }
0xe7: {  	s18 =	sld [smem:$0x7BC];
	_ =	sdelay $0x1  }
0xe8: {  	s19 =	simm.s32 $0x19D80  }
0xe9: {  	[tilespmem:s19], [sflag:$0x2] =	stream.linear.gather [spmem:s18], $0x80, $0x38;
	[tilespmem:$0x1EB00] =	vst v63  }
0xea: {  	s18 =	sld [smem:$0x7BD];
	_ =	sdelay $0x1  }
0xeb: {  	s19 =	simm.s32 $0x19F80  }
0xec: {  	[tilespmem:s19], [sflag:$0x2] =	stream.linear.gather [spmem:s18], $0x80, $0x38;
	[tilespmem:$0x1EB00] =	vst v63  }
0xed: {  	s18 =	sld [smem:$0x7BE];
	_ =	sdelay $0x1  }
0xee: {  	s19 =	simm.s32 $0x1A180  }
0xef: {  	[tilespmem:s19], [sflag:$0x2] =	stream.linear.gather [spmem:s18], $0x80, $0x38;
	[tilespmem:$0x1EB00] =	vst v63  }
0xf0: {  	s18 =	sld [smem:$0x7BF];
	_ =	sdelay $0x1  }
0xf1: {  	s19 =	simm.s32 $0x1A380  }
0xf2: {  	[tilespmem:s19], [sflag:$0x2] =	stream.linear.gather [spmem:s18], $0x80, $0x38;
	[tilespmem:$0x1EB00] =	vst v63  }
0xf3: {  	s18 =	sld [smem:$0x7C0];
	_ =	sdelay $0x1  }
0xf4: {  	s19 =	simm.s32 $0x1A580  }
0xf5: {  	[tilespmem:s19], [sflag:$0x2] =	stream.linear.gather [spmem:s18], $0x80, $0x38;
	[tilespmem:$0x1EB00] =	vst v63  }
0xf6: {  	s18 =	sld [smem:$0x7C1];
	_ =	sdelay $0x1  }
0xf7: {  	s19 =	simm.s32 $0x1A780  }
0xf8: {  	[tilespmem:s19], [sflag:$0x2] =	stream.linear.gather [spmem:s18], $0x80, $0x38;
	[tilespmem:$0x1EB00] =	vst v63  }
0xf9: {  	s18 =	sld [smem:$0x7C2];
	_ =	sdelay $0x1  }
0xfa: {  	s19 =	simm.s32 $0x1A980  }
0xfb: {  	[tilespmem:s19], [sflag:$0x2] =	stream.linear.gather [spmem:s18], $0x80, $0x38;
	[tilespmem:$0x1EB00] =	vst v63  }
0xfc: {  	s18 =	sld [smem:$0x7C3];
	_ =	sdelay $0x1  }
0xfd: {  	s19 =	simm.s32 $0x1AB80  }
0xfe: {  	[tilespmem:s19], [sflag:$0x2] =	stream.linear.gather [spmem:s18], $0x80, $0x38;
	[tilespmem:$0x1EB00] =	vst v63  }
0xff: {  	s18 =	sld [smem:$0x7C4];
	_ =	sdelay $0x1  }
0x100: {  	s19 =	simm.s32 $0x1AD80  }
0x101: {  	[tilespmem:s19], [sflag:$0x2] =	stream.linear.gather [spmem:s18], $0x80, $0x38;
	[tilespmem:$0x1EB00] =	vst v63  }
0x102: {  	s18 =	sld [smem:$0x7C5];
	_ =	sdelay $0x1  }
0x103: {  	s19 =	simm.s32 $0x1AF80  }
0x104: {  	[tilespmem:s19], [sflag:$0x2] =	stream.linear.gather [spmem:s18], $0x80, $0x38;
	[tilespmem:$0x1EB00] =	vst v63  }
0x105: {  	s18 =	sld [smem:$0x7C6];
	_ =	sdelay $0x1  }
0x106: {  	s19 =	simm.s32 $0x1B180  }
0x107: {  	[tilespmem:s19], [sflag:$0x2] =	stream.linear.gather [spmem:s18], $0x80, $0x38;
	[tilespmem:$0x1EB00] =	vst v63  }
0x108: {  	s18 =	sld [smem:$0x7C7];
	_ =	sdelay $0x1  }
0x109: {  	s19 =	simm.s32 $0x1B380  }
0x10a: {  	[tilespmem:s19], [sflag:$0x2] =	stream.linear.gather [spmem:s18], $0x80, $0x38;
	[tilespmem:$0x1EB00] =	vst v63  }
0x10b: {  	s18 =	sld [smem:$0x7C8];
	_ =	sdelay $0x1  }
0x10c: {  	s19 =	simm.s32 $0x1B580  }
0x10d: {  	[tilespmem:s19], [sflag:$0x2] =	stream.linear.gather [spmem:s18], $0x80, $0x38;
	[tilespmem:$0x1EB00] =	vst v63  }
0x10e: {  	s18 =	sld [smem:$0x7C9];
	_ =	sdelay $0x1  }
0x10f: {  	s19 =	simm.s32 $0x1B780  }
0x110: {  	[tilespmem:s19], [sflag:$0x2] =	stream.linear.gather [spmem:s18], $0x80, $0x38;
	[tilespmem:$0x1EB00] =	vst v63  }
0x111: {  	s18 =	sld [smem:$0x7CA];
	_ =	sdelay $0x1  }
0x112: {  	s19 =	simm.s32 $0x1B980  }
0x113: {  	[tilespmem:s19], [sflag:$0x2] =	stream.linear.gather [spmem:s18], $0x80, $0x38;
	[tilespmem:$0x1EB00] =	vst v63  }
0x114: {  	s18 =	sld [smem:$0x7CB];
	_ =	sdelay $0x1  }
0x115: {  	s19 =	simm.s32 $0x1BB80  }
0x116: {  	[tilespmem:s19], [sflag:$0x2] =	stream.linear.gather [spmem:s18], $0x80, $0x38;
	[tilespmem:$0x1EB00] =	vst v63  }
0x117: {  	s18 =	sld [smem:$0x7CC];
	_ =	sdelay $0x1  }
0x118: {  	s19 =	simm.s32 $0x1BD80  }
0x119: {  	[tilespmem:s19], [sflag:$0x2] =	stream.linear.gather [spmem:s18], $0x80, $0x38;
	[tilespmem:$0x1EB00] =	vst v63  }
0x11a: {  	s18 =	sld [smem:$0x7CD];
	_ =	sdelay $0x1  }
0x11b: {  	s19 =	simm.s32 $0x1BF80  }
0x11c: {  	[tilespmem:s19], [sflag:$0x2] =	stream.linear.gather [spmem:s18], $0x80, $0x38;
	[tilespmem:$0x1EB00] =	vst v63  }
0x11d: {  	s18 =	sld [smem:$0x7CE];
	_ =	sdelay $0x1  }
0x11e: {  	s19 =	simm.s32 $0x1C180  }
0x11f: {  	[tilespmem:s19], [sflag:$0x2] =	stream.linear.gather [spmem:s18], $0x80, $0x38;
	[tilespmem:$0x1EB00] =	vst v63  }
0x120: {  	s18 =	sld [smem:$0x7CF];
	_ =	sdelay $0x1  }
0x121: {  	s19 =	simm.s32 $0x1C380  }
0x122: {  	[tilespmem:s19], [sflag:$0x2] =	stream.linear.gather [spmem:s18], $0x80, $0x38;
	[tilespmem:$0x1EB00] =	vst v63  }
0x123: {  	s18 =	sld [smem:$0x7D0];
	_ =	sdelay $0x1  }
0x124: {  	s19 =	simm.s32 $0x1C580  }
0x125: {  	[tilespmem:s19], [sflag:$0x2] =	stream.linear.gather [spmem:s18], $0x80, $0x38;
	[tilespmem:$0x1EB00] =	vst v63  }
0x126: {  	s18 =	rddreg [dreg:$0x7];
	s19 =	simm.s32 $0x18800  }
0x127: {  	[tilespmem:s19], [sflag:$0x2] =	stream.linear.gather [spmem:s18], $0x80, $0x38;
	[tilespmem:$0x1EB00] =	vst v63  }
0x128: {  	s18 =	sld [smem:$0x7D1];
	_ =	sdelay $0x1  }
0x129: {  	s19 =	simm.s32 $0x18A00  }
0x12a: {  	[tilespmem:s19], [sflag:$0x2] =	stream.linear.gather [spmem:s18], $0x80, $0x38;
	[tilespmem:$0x1EB00] =	vst v63  }
0x12b: {  	s18 =	sld [smem:$0x7D2];
	_ =	sdelay $0x1  }
0x12c: {  	s19 =	simm.s32 $0x18C00  }
0x12d: {  	[tilespmem:s19], [sflag:$0x2] =	stream.linear.gather [spmem:s18], $0x80, $0x38;
	[tilespmem:$0x1EB00] =	vst v63  }
0x12e: {  	s18 =	sld [smem:$0x7D3];
	_ =	sdelay $0x1  }
0x12f: {  	s19 =	simm.s32 $0x18E00  }
0x130: {  	[tilespmem:s19], [sflag:$0x2] =	stream.linear.gather [spmem:s18], $0x80, $0x38;
	[tilespmem:$0x1EB00] =	vst v63  }
0x131: {  	s18 =	sld [smem:$0x7D4];
	_ =	sdelay $0x1  }
0x132: {  	s19 =	simm.s32 $0x19000  }
0x133: {  	[tilespmem:s19], [sflag:$0x2] =	stream.linear.gather [spmem:s18], $0x80, $0x38;
	[tilespmem:$0x1EB00] =	vst v63  }
0x134: {  	s18 =	sld [smem:$0x7D5];
	_ =	sdelay $0x1  }
0x135: {  	s19 =	simm.s32 $0x19200  }
0x136: {  	[tilespmem:s19], [sflag:$0x2] =	stream.linear.gather [spmem:s18], $0x80, $0x38;
	[tilespmem:$0x1EB00] =	vst v63  }
0x137: {  	s18 =	sld [smem:$0x7D6];
	_ =	sdelay $0x1  }
0x138: {  	s19 =	simm.s32 $0x19400  }
0x139: {  	[tilespmem:s19], [sflag:$0x2] =	stream.linear.gather [spmem:s18], $0x80, $0x38;
	[tilespmem:$0x1EB00] =	vst v63  }
0x13a: {  	s18 =	sld [smem:$0x7D7];
	_ =	sdelay $0x1  }
0x13b: {  	s19 =	simm.s32 $0x19600  }
0x13c: {  	[tilespmem:s19], [sflag:$0x2] =	stream.linear.gather [spmem:s18], $0x80, $0x38;
	[tilespmem:$0x1EB00] =	vst v63  }
0x13d: {  	s18 =	sld [smem:$0x7D8];
	_ =	sdelay $0x1  }
0x13e: {  	s19 =	simm.s32 $0x19800  }
0x13f: {  	[tilespmem:s19], [sflag:$0x2] =	stream.linear.gather [spmem:s18], $0x80, $0x38;
	[tilespmem:$0x1EB00] =	vst v63  }
0x140: {  	s18 =	sld [smem:$0x7D9];
	_ =	sdelay $0x1  }
0x141: {  	s19 =	simm.s32 $0x19A00  }
0x142: {  	[tilespmem:s19], [sflag:$0x2] =	stream.linear.gather [spmem:s18], $0x80, $0x38;
	[tilespmem:$0x1EB00] =	vst v63  }
0x143: {  	s18 =	sld [smem:$0x7DA];
	_ =	sdelay $0x1  }
0x144: {  	s19 =	simm.s32 $0x19C00  }
0x145: {  	[tilespmem:s19], [sflag:$0x2] =	stream.linear.gather [spmem:s18], $0x80, $0x38;
	[tilespmem:$0x1EB00] =	vst v63  }
0x146: {  	s18 =	sld [smem:$0x7DB];
	_ =	sdelay $0x1  }
0x147: {  	s19 =	simm.s32 $0x19E00  }
0x148: {  	[tilespmem:s19], [sflag:$0x2] =	stream.linear.gather [spmem:s18], $0x80, $0x38;
	[tilespmem:$0x1EB00] =	vst v63  }
0x149: {  	s18 =	sld [smem:$0x7DC];
	_ =	sdelay $0x1  }
0x14a: {  	s19 =	simm.s32 $0x1A000  }
0x14b: {  	[tilespmem:s19], [sflag:$0x2] =	stream.linear.gather [spmem:s18], $0x80, $0x38;
	[tilespmem:$0x1EB00] =	vst v63  }
0x14c: {  	s18 =	sld [smem:$0x7DD];
	_ =	sdelay $0x1  }
0x14d: {  	s19 =	simm.s32 $0x1A200  }
0x14e: {  	[tilespmem:s19], [sflag:$0x2] =	stream.linear.gather [spmem:s18], $0x80, $0x38;
	[tilespmem:$0x1EB00] =	vst v63  }
0x14f: {  	s18 =	sld [smem:$0x7DE];
	_ =	sdelay $0x1  }
0x150: {  	s19 =	simm.s32 $0x1A400  }
0x151: {  	[tilespmem:s19], [sflag:$0x2] =	stream.linear.gather [spmem:s18], $0x80, $0x38;
	[tilespmem:$0x1EB00] =	vst v63  }
0x152: {  	s18 =	sld [smem:$0x7DF];
	_ =	sdelay $0x1  }
0x153: {  	s19 =	simm.s32 $0x1A600  }
0x154: {  	[tilespmem:s19], [sflag:$0x2] =	stream.linear.gather [spmem:s18], $0x80, $0x38;
	[tilespmem:$0x1EB00] =	vst v63  }
0x155: {  	s18 =	sld [smem:$0x7E0];
	_ =	sdelay $0x1  }
0x156: {  	s19 =	simm.s32 $0x1A800  }
0x157: {  	[tilespmem:s19], [sflag:$0x2] =	stream.linear.gather [spmem:s18], $0x80, $0x38;
	[tilespmem:$0x1EB00] =	vst v63  }
0x158: {  	s18 =	sld [smem:$0x7E1];
	_ =	sdelay $0x1  }
0x159: {  	s19 =	simm.s32 $0x1AA00  }
0x15a: {  	[tilespmem:s19], [sflag:$0x2] =	stream.linear.gather [spmem:s18], $0x80, $0x38;
	[tilespmem:$0x1EB00] =	vst v63  }
0x15b: {  	s18 =	sld [smem:$0x7E2];
	_ =	sdelay $0x1  }
0x15c: {  	s19 =	simm.s32 $0x1AC00  }
0x15d: {  	[tilespmem:s19], [sflag:$0x2] =	stream.linear.gather [spmem:s18], $0x80, $0x38;
	[tilespmem:$0x1EB00] =	vst v63  }
0x15e: {  	s18 =	sld [smem:$0x7E3];
	_ =	sdelay $0x1  }
0x15f: {  	s19 =	simm.s32 $0x1AE00  }
0x160: {  	[tilespmem:s19], [sflag:$0x2] =	stream.linear.gather [spmem:s18], $0x80, $0x38;
	[tilespmem:$0x1EB00] =	vst v63  }
0x161: {  	s18 =	sld [smem:$0x7E4];
	_ =	sdelay $0x1  }
0x162: {  	s19 =	simm.s32 $0x1B000  }
0x163: {  	[tilespmem:s19], [sflag:$0x2] =	stream.linear.gather [spmem:s18], $0x80, $0x38;
	[tilespmem:$0x1EB00] =	vst v63  }
0x164: {  	s18 =	sld [smem:$0x7E5];
	_ =	sdelay $0x1  }
0x165: {  	s19 =	simm.s32 $0x1B200  }
0x166: {  	[tilespmem:s19], [sflag:$0x2] =	stream.linear.gather [spmem:s18], $0x80, $0x38;
	[tilespmem:$0x1EB00] =	vst v63  }
0x167: {  	s18 =	sld [smem:$0x7E6];
	_ =	sdelay $0x1  }
0x168: {  	s19 =	simm.s32 $0x1B400  }
0x169: {  	[tilespmem:s19], [sflag:$0x2] =	stream.linear.gather [spmem:s18], $0x80, $0x38;
	[tilespmem:$0x1EB00] =	vst v63  }
0x16a: {  	s18 =	sld [smem:$0x7E7];
	_ =	sdelay $0x1  }
0x16b: {  	s19 =	simm.s32 $0x1B600  }
0x16c: {  	[tilespmem:s19], [sflag:$0x2] =	stream.linear.gather [spmem:s18], $0x80, $0x38;
	[tilespmem:$0x1EB00] =	vst v63  }
0x16d: {  	s18 =	sld [smem:$0x7E8];
	_ =	sdelay $0x1  }
0x16e: {  	s19 =	simm.s32 $0x1B800  }
0x16f: {  	[tilespmem:s19], [sflag:$0x2] =	stream.linear.gather [spmem:s18], $0x80, $0x38;
	[tilespmem:$0x1EB00] =	vst v63  }
0x170: {  	s18 =	sld [smem:$0x7E9];
	_ =	sdelay $0x1  }
0x171: {  	s19 =	simm.s32 $0x1BA00  }
0x172: {  	[tilespmem:s19], [sflag:$0x2] =	stream.linear.gather [spmem:s18], $0x80, $0x38;
	[tilespmem:$0x1EB00] =	vst v63  }
0x173: {  	s18 =	sld [smem:$0x7EA];
	_ =	sdelay $0x1  }
0x174: {  	s19 =	simm.s32 $0x1BC00  }
0x175: {  	[tilespmem:s19], [sflag:$0x2] =	stream.linear.gather [spmem:s18], $0x80, $0x38;
	[tilespmem:$0x1EB00] =	vst v63  }
0x176: {  	s18 =	sld [smem:$0x7EB];
	_ =	sdelay $0x1  }
0x177: {  	s19 =	simm.s32 $0x1BE00  }
0x178: {  	[tilespmem:s19], [sflag:$0x2] =	stream.linear.gather [spmem:s18], $0x80, $0x38;
	[tilespmem:$0x1EB00] =	vst v63  }
0x179: {  	s18 =	sld [smem:$0x7EC];
	_ =	sdelay $0x1  }
0x17a: {  	s19 =	simm.s32 $0x1C000  }
0x17b: {  	[tilespmem:s19], [sflag:$0x2] =	stream.linear.gather [spmem:s18], $0x80, $0x38;
	[tilespmem:$0x1EB00] =	vst v63  }
0x17c: {  	s18 =	sld [smem:$0x7ED];
	_ =	sdelay $0x1  }
0x17d: {  	s19 =	simm.s32 $0x1C200  }
0x17e: {  	[tilespmem:s19], [sflag:$0x2] =	stream.linear.gather [spmem:s18], $0x80, $0x38;
	[tilespmem:$0x1EB00] =	vst v63  }
0x17f: {  	s18 =	sld [smem:$0x7EE];
	_ =	sdelay $0x1  }
0x180: {  	s19 =	simm.s32 $0x1C400  }
0x181: {  	[tilespmem:s19], [sflag:$0x2] =	stream.linear.gather [spmem:s18], $0x80, $0x38;
	[tilespmem:$0x1EB00] =	vst v63  }
0x182: {  	s18 =	sld [smem:$0x7EF];
	_ =	sdelay $0x1  }
0x183: {  	s19 =	simm.s32 $0x1C600  }
0x184: {  	[tilespmem:s19], [sflag:$0x2] =	stream.linear.gather [spmem:s18], $0x80, $0x38;
	[tilespmem:$0x1EB00] =	vst v63  }
0x185: {  	s18 =	rddreg [dreg:$0x8];
	s19 =	simm.s32 $0x18880  }
0x186: {  	[tilespmem:s19], [sflag:$0x2] =	stream.linear.gather [spmem:s18], $0x80, $0x38;
	[tilespmem:$0x1EB00] =	vst v63  }
0x187: {  	s18 =	sld [smem:$0x7F0];
	_ =	sdelay $0x1  }
0x188: {  	s19 =	simm.s32 $0x18A80  }
0x189: {  	[tilespmem:s19], [sflag:$0x2] =	stream.linear.gather [spmem:s18], $0x80, $0x38;
	[tilespmem:$0x1EB00] =	vst v63  }
0x18a: {  	s18 =	sld [smem:$0x7F1];
	_ =	sdelay $0x1  }
0x18b: {  	s19 =	simm.s32 $0x18C80  }
0x18c: {  	[tilespmem:s19], [sflag:$0x2] =	stream.linear.gather [spmem:s18], $0x80, $0x38;
	[tilespmem:$0x1EB00] =	vst v63  }
0x18d: {  	s18 =	sld [smem:$0x7F2];
	_ =	sdelay $0x1  }
0x18e: {  	s19 =	simm.s32 $0x18E80  }
0x18f: {  	[tilespmem:s19], [sflag:$0x2] =	stream.linear.gather [spmem:s18], $0x80, $0x38;
	[tilespmem:$0x1EB00] =	vst v63  }
0x190: {  	s18 =	sld [smem:$0x7F3];
	_ =	sdelay $0x1  }
0x191: {  	s19 =	simm.s32 $0x19080  }
0x192: {  	[tilespmem:s19], [sflag:$0x2] =	stream.linear.gather [spmem:s18], $0x80, $0x38;
	[tilespmem:$0x1EB00] =	vst v63  }
0x193: {  	s18 =	sld [smem:$0x7F4];
	_ =	sdelay $0x1  }
0x194: {  	s19 =	simm.s32 $0x19280  }
0x195: {  	[tilespmem:s19], [sflag:$0x2] =	stream.linear.gather [spmem:s18], $0x80, $0x38;
	[tilespmem:$0x1EB00] =	vst v63  }
0x196: {  	s18 =	sld [smem:$0x7F5];
	_ =	sdelay $0x1  }
0x197: {  	s19 =	simm.s32 $0x19480  }
0x198: {  	[tilespmem:s19], [sflag:$0x2] =	stream.linear.gather [spmem:s18], $0x80, $0x38;
	[tilespmem:$0x1EB00] =	vst v63  }
0x199: {  	s18 =	sld [smem:$0x7F6];
	_ =	sdelay $0x1  }
0x19a: {  	s19 =	simm.s32 $0x19680  }
0x19b: {  	[tilespmem:s19], [sflag:$0x2] =	stream.linear.gather [spmem:s18], $0x80, $0x38;
	[tilespmem:$0x1EB00] =	vst v63  }
0x19c: {  	s18 =	sld [smem:$0x7F7];
	_ =	sdelay $0x1  }
0x19d: {  	s19 =	simm.s32 $0x19880  }
0x19e: {  	[tilespmem:s19], [sflag:$0x2] =	stream.linear.gather [spmem:s18], $0x80, $0x38;
	[tilespmem:$0x1EB00] =	vst v63  }
0x19f: {  	s18 =	sld [smem:$0x7F8];
	_ =	sdelay $0x1  }
0x1a0: {  	s19 =	simm.s32 $0x19A80  }
0x1a1: {  	[tilespmem:s19], [sflag:$0x2] =	stream.linear.gather [spmem:s18], $0x80, $0x38;
	[tilespmem:$0x1EB00] =	vst v63  }
0x1a2: {  	s18 =	sld [smem:$0x7F9];
	_ =	sdelay $0x1  }
0x1a3: {  	s19 =	simm.s32 $0x19C80  }
0x1a4: {  	[tilespmem:s19], [sflag:$0x2] =	stream.linear.gather [spmem:s18], $0x80, $0x38;
	[tilespmem:$0x1EB00] =	vst v63  }
0x1a5: {  	s18 =	sld [smem:$0x7FA];
	_ =	sdelay $0x1  }
0x1a6: {  	s19 =	simm.s32 $0x19E80  }
0x1a7: {  	[tilespmem:s19], [sflag:$0x2] =	stream.linear.gather [spmem:s18], $0x80, $0x38;
	[tilespmem:$0x1EB00] =	vst v63  }
0x1a8: {  	s18 =	sld [smem:$0x7FB];
	_ =	sdelay $0x1  }
0x1a9: {  	s19 =	simm.s32 $0x1A080  }
0x1aa: {  	[tilespmem:s19], [sflag:$0x2] =	stream.linear.gather [spmem:s18], $0x80, $0x38;
	[tilespmem:$0x1EB00] =	vst v63  }
0x1ab: {  	s18 =	sld [smem:$0x7FC];
	_ =	sdelay $0x1  }
0x1ac: {  	s19 =	simm.s32 $0x1A280  }
0x1ad: {  	[tilespmem:s19], [sflag:$0x2] =	stream.linear.gather [spmem:s18], $0x80, $0x38;
	[tilespmem:$0x1EB00] =	vst v63  }
0x1ae: {  	s18 =	sld [smem:$0x7FD];
	_ =	sdelay $0x1  }
0x1af: {  	s19 =	simm.s32 $0x1A480  }
0x1b0: {  	[tilespmem:s19], [sflag:$0x2] =	stream.linear.gather [spmem:s18], $0x80, $0x38;
	[tilespmem:$0x1EB00] =	vst v63  }
0x1b1: {  	s17 =	simm.s32 $0x1A680  }
0x1b2: {  	[tilespmem:s17], [sflag:$0x2] =	stream.linear.gather [spmem:s20], $0x80, $0x38;
	[tilespmem:$0x1EB00] =	vst v63  }
0x1b3: {  	s18 =	simm.s32 $0x1A880  }
0x1b4: {  	[tilespmem:s18], [sflag:$0x2] =	stream.linear.gather [spmem:s21], $0x80, $0x38;
	[tilespmem:$0x1EB00] =	vst v63  }
0x1b5: {  	s19 =	simm.s32 $0x1AA80  }
0x1b6: {  	[tilespmem:s19], [sflag:$0x2] =	stream.linear.gather [spmem:s22], $0x80, $0x38;
	[tilespmem:$0x1EB00] =	vst v63  }
0x1b7: {  	s17 =	simm.s32 $0x1AC80  }
0x1b8: {  	[tilespmem:s17], [sflag:$0x2] =	stream.linear.gather [spmem:s23], $0x80, $0x38;
	[tilespmem:$0x1EB00] =	vst v63  }
0x1b9: {  	s18 =	simm.s32 $0x1AE80  }
0x1ba: {  	[tilespmem:s18], [sflag:$0x2] =	stream.linear.gather [spmem:s24], $0x80, $0x38;
	[tilespmem:$0x1EB00] =	vst v63  }
0x1bb: {  	s19 =	simm.s32 $0x1B080  }
0x1bc: {  	[tilespmem:s19], [sflag:$0x2] =	stream.linear.gather [spmem:s25], $0x80, $0x38;
	[tilespmem:$0x1EB00] =	vst v63  }
0x1bd: {  	s17 =	simm.s32 $0x1B280  }
0x1be: {  	[tilespmem:s17], [sflag:$0x2] =	stream.linear.gather [spmem:s26], $0x80, $0x38;
	[tilespmem:$0x1EB00] =	vst v63  }
0x1bf: {  	s18 =	simm.s32 $0x1B480  }
0x1c0: {  	[tilespmem:s18], [sflag:$0x2] =	stream.linear.gather [spmem:s28], $0x80, $0x38;
	[tilespmem:$0x1EB00] =	vst v63  }
0x1c1: {  	s19 =	simm.s32 $0x1B680  }
0x1c2: {  	[tilespmem:s19], [sflag:$0x2] =	stream.linear.gather [spmem:s29], $0x80, $0x38;
	[tilespmem:$0x1EB00] =	vst v63  }
0x1c3: {  	s17 =	simm.s32 $0x1B880  }
0x1c4: {  	[tilespmem:s17], [sflag:$0x2] =	stream.linear.gather [spmem:s30], $0x80, $0x38;
	[tilespmem:$0x1EB00] =	vst v63  }
0x1c5: {  	s18 =	simm.s32 $0x1BA80  }
0x1c6: {  	[tilespmem:s18], [sflag:$0x2] =	stream.linear.gather [spmem:s31], $0x80, $0x38;
	[tilespmem:$0x1EB00] =	vst v63  }
0x1c7: {  	s19 =	simm.s32 $0x1BC80  }
0x1c8: {  	[tilespmem:s19], [sflag:$0x2] =	stream.linear.gather [spmem:s0], $0x80, $0x38;
	[tilespmem:$0x1EB00] =	vst v63  }
0x1c9: {  	s17 =	simm.s32 $0x1BE80  }
0x1ca: {  	[tilespmem:s17], [sflag:$0x2] =	stream.linear.gather [spmem:s1], $0x80, $0x38;
	[tilespmem:$0x1EB00] =	vst v63  }
0x1cb: {  	s18 =	simm.s32 $0x1C080  }
0x1cc: {  	[tilespmem:s18], [sflag:$0x2] =	stream.linear.gather [spmem:s4], $0x80, $0x38;
	[tilespmem:$0x1EB00] =	vst v63  }
0x1cd: {  	s19 =	simm.s32 $0x1C280  }
0x1ce: {  	[tilespmem:s19], [sflag:$0x2] =	stream.linear.gather [spmem:s5], $0x80, $0x38;
	[tilespmem:$0x1EB00] =	vst v63  }
0x1cf: {  	s17 =	simm.s32 $0x1C480  }
0x1d0: {  	[tilespmem:s17], [sflag:$0x2] =	stream.linear.gather [spmem:s6], $0x80, $0x38;
	[tilespmem:$0x1EB00] =	vst v63  }
0x1d1: {  	s18 =	simm.s32 $0x1C680  }
0x1d2: {  	[tilespmem:s18], [sflag:$0x2] =	stream.linear.gather [spmem:s8], $0x80, $0x38;
	[tilespmem:$0x1EB00] =	vst v63  }
0x1d3: {  	_ =	swait.ge [sflag:s12], $0x18700  }
0x1d4: {  	[sflag:s12] =	ssyncset.done $0x0  }
0x1d5: {  	[sflag:s12] =	ssyncadd.s32 $0xFFFE7900  }
0x1d6: {  	_ =	swait.ge [sflag:s13], $0x1000  }
0x1d7: {  	[sflag:s13] =	ssyncset.done $0x0  }
0x1d8: {  	s19 =	simm.s32 $0x18740;
	[sflag:s13] =	ssyncadd.s32 $0xFFFFF000  }
0x1d9: {  	v0 =	vld [tilespmem:s19+$0x30]  }
0x1da: {  	v1 =	vld [tilespmem:s19+$0xFFFFFFD0]  }
0x1db: {  	v2 =	vld [tilespmem:s19+$0xFFFFFFE0]  }
0x1dc: {  	v3 =	vld [tilespmem:s19+$0xFFFFFFF0]  }
0x1dd: {  	v4 =	vld [tilespmem:s19+$0x0]  }
0x1de: {  	v6 =	vld [tilespmem:s19+$0x10]  }
0x1df: {  	v7 =	vld [tilespmem:s19+$0x20]  }
0x1e0: {  	v8 =	vld [tilespmem:s19+$0xFFFFFFC0]  }
0x1e1: {  	v9 =	vld.idx.msk [tilespmem:v0+s3+$0x0], $0xffff  }
0x1e2: {  	v10 =	vld.idx.msk [tilespmem:v1+s3+$0x0], $0xffff  }
0x1e3: {  	v5 =	vld.idx.msk [tilespmem:v2+s3+$0x0], $0xffff  }
0x1e4: {  	v3 =	vld.idx.msk [tilespmem:v3+s3+$0x0], $0xffff  }
0x1e5: {  	v0 =	vld.idx.msk [tilespmem:v4+s3+$0x0], $0xffff  }
0x1e6: {  	s16 =	simm.s32 $0x1C740;
	v1 =	vld.idx.msk [tilespmem:v6+s3+$0x0], $0xffff  }
0x1e7: {  	v2 =	vld.idx.msk [tilespmem:v7+s3+$0x0], $0xffff;
	[tilespmem:s16+$0x30] =	vst v9  }
0x1e8: {  	s17 =	simm.s32 $0x0;
	s18 =	simm.s32 $0x18940;
	v4 =	vld.idx.msk [tilespmem:v8+s3+$0x0], $0xffff;
	[tilespmem:s16+$0xFFFFFFD0] =	vst v10  }
.LBB2_2:
0x1e9: {  	v6 =	vld [tilespmem:s18+$0x30];
	s17 =	sadd.s32 $0x80, s17;
	[tilespmem:s16+$0xFFFFFFE0] =	vst v5  }
0x1ea: {  	v5 =	vld [tilespmem:s18+$0xFFFFFFD0];
	p1 =	slt.u32 s17, $0xF80;
	[tilespmem:s16+$0xFFFFFFF0] =	vst v3  }
0x1eb: {  	v3 =	vld [tilespmem:s18+$0xFFFFFFE0];
	[tilespmem:s16+$0x0] =	vst v0  }
0x1ec: {  	v0 =	vld [tilespmem:s18+$0xFFFFFFF0];
	[tilespmem:s16+$0x10] =	vst v1  }
0x1ed: {  	v1 =	vld [tilespmem:s18+$0x0];
	[tilespmem:s16+$0x20] =	vst v2  }
0x1ee: {  	v2 =	vld [tilespmem:s18+$0x10];
	[tilespmem:s16+$0xFFFFFFC0] =	vst v4  }
0x1ef: {  	v4 =	vld [tilespmem:s18+$0x20]  }
0x1f0: {  	v7 =	vld [tilespmem:s18+$0xFFFFFFC0]  }
0x1f1: {  	v6 =	vld.idx.msk [tilespmem:v6+s3+$0x0], $0xffff  }
0x1f2: {  	v8 =	vld.idx.msk [tilespmem:v5+s3+$0x0], $0xffff  }
0x1f3: {  	v5 =	vld.idx.msk [tilespmem:v3+s3+$0x0], $0xffff  }
.Ltmp0:
0x1f4: {  	v3 =	vld.idx.msk [tilespmem:v0+s3+$0x0], $0xffff;
	(pc) =	sbr.rel @p1 .LBB2_2-.Ltmp0, $4  }
0x1f5: {  	v0 =	vld.idx.msk [tilespmem:v1+s3+$0x0], $0xffff  }
0x1f6: {  	s16 =	sadd.s32 $0x100, s16;
	v1 =	vld.idx.msk [tilespmem:v2+s3+$0x0], $0xffff  }
0x1f7: {  	v2 =	vld.idx.msk [tilespmem:v4+s3+$0x0], $0xffff;
	[tilespmem:s16+$0x30] =	vst v6  }
0x1f8: {  	s18 =	sadd.s32 $0x200, s18;
	v4 =	vld.idx.msk [tilespmem:v7+s3+$0x0], $0xffff;
	[tilespmem:s16+$0xFFFFFFD0] =	vst v8  }
0x1f9: {  	[tilespmem:s16+$0xFFFFFFE0] =	vst v5  }
0x1fa: {  	[tilespmem:s16+$0xFFFFFFF0] =	vst v3  }
0x1fb: {  	[tilespmem:s16+$0x0] =	vst v0  }
0x1fc: {  	[tilespmem:s16+$0x10] =	vst v1  }
0x1fd: {  	s17 =	simm.s32 $0x1C700;
	[tilespmem:s16+$0x20] =	vst v2  }
0x1fe: {  	s19 =	sadd.s32 $0x0, s7;
	s18 =	simm.s32 $0x1C800;
	[tilespmem:s16+$0xFFFFFFC0] =	vst v4;
	s16 =	simm.s32 $0x80  }
.LBB2_4:
0x1ff: {  	[hbm4b:s19+s3] =	stream.linear.scatter [tilespmem:s17], [sflag:$0x3], $0x80, $0x38;
	[tilespmem:$0x1EB00] =	vst v63  }
0x200: {  	s19 =	smov.u32 s16;
	s17 =	smov.u32 s18;
	p1 =	sne.s32 s16, $0xF80  }
.Ltmp1:
0x201: {  	s16 =	sadd.s32 $0x80, s16;
	(pc) =	sbr.rel @p1 .LBB2_4-.Ltmp1, $2  }
0x202: {  	_ =	sdelay $0x2  }
0x203: {  	s18 =	sadd.s32 $0x100, s18;
	s19 =	sadd.s32 s19, s7  }
0x204: {  	[hbm4b:s19+s3] =	stream.linear.scatter [tilespmem:s17], [sflag:$0x3], $0x80, $0x38;
	[tilespmem:$0x1EB00] =	vst v63  }
0x205: {  	_ =	swait.ge [sflag:s13], $0x1000  }
0x206: {  	[sflag:s13] =	ssyncset.done $0x0  }
0x207: {  	s16 =	simm.s32 $0x187F0;
	[sflag:s13] =	ssyncadd.s32 $0xFFFFF000  }
0x208: {  	v0 =	vld [tilespmem:s16+$0x0]  }
0x209: {  	v1 =	vld [tilespmem:s16+$0xFFFFFFA0]  }
0x20a: {  	v2 =	vld [tilespmem:s16+$0xFFFFFFB0]  }
0x20b: {  	v3 =	vld [tilespmem:s16+$0xFFFFFFC0]  }
0x20c: {  	v4 =	vld [tilespmem:s16+$0xFFFFFFD0]  }
0x20d: {  	v6 =	vld [tilespmem:s16+$0xFFFFFFE0]  }
0x20e: {  	v7 =	vld [tilespmem:s16+$0xFFFFFFF0]  }
0x20f: {  	v8 =	vld [tilespmem:s16+$0xFFFFFF90]  }
0x210: {  	v9 =	vld.idx.msk [tilespmem:v0+s3+$0x0], $0xffff  }
0x211: {  	v10 =	vld.idx.msk [tilespmem:v1+s3+$0x0], $0xffff  }
0x212: {  	v5 =	vld.idx.msk [tilespmem:v2+s3+$0x0], $0xffff  }
0x213: {  	v3 =	vld.idx.msk [tilespmem:v3+s3+$0x0], $0xffff  }
0x214: {  	v0 =	vld.idx.msk [tilespmem:v4+s3+$0x0], $0xffff  }
0x215: {  	s16 =	simm.s32 $0x1C7F0;
	v1 =	vld.idx.msk [tilespmem:v6+s3+$0x0], $0xffff  }
0x216: {  	v2 =	vld.idx.msk [tilespmem:v7+s3+$0x0], $0xffff;
	[tilespmem:s16+$0x0] =	vst v9  }
0x217: {  	s17 =	simm.s32 $0x0;
	s18 =	simm.s32 $0x189F0;
	v4 =	vld.idx.msk [tilespmem:v8+s3+$0x0], $0xffff;
	[tilespmem:s16+$0xFFFFFFA0] =	vst v10  }
.LBB2_6:
0x218: {  	v6 =	vld [tilespmem:s18+$0x0];
	s17 =	sadd.s32 $0x80, s17;
	[tilespmem:s16+$0xFFFFFFB0] =	vst v5  }
0x219: {  	v5 =	vld [tilespmem:s18+$0xFFFFFFA0];
	p1 =	slt.u32 s17, $0xF80;
	[tilespmem:s16+$0xFFFFFFC0] =	vst v3  }
0x21a: {  	v3 =	vld [tilespmem:s18+$0xFFFFFFB0];
	[tilespmem:s16+$0xFFFFFFD0] =	vst v0  }
0x21b: {  	v0 =	vld [tilespmem:s18+$0xFFFFFFC0];
	[tilespmem:s16+$0xFFFFFFE0] =	vst v1  }
0x21c: {  	v1 =	vld [tilespmem:s18+$0xFFFFFFD0];
	[tilespmem:s16+$0xFFFFFFF0] =	vst v2  }
0x21d: {  	v2 =	vld [tilespmem:s18+$0xFFFFFFE0];
	[tilespmem:s16+$0xFFFFFF90] =	vst v4  }
0x21e: {  	v4 =	vld [tilespmem:s18+$0xFFFFFFF0]  }
0x21f: {  	v7 =	vld [tilespmem:s18+$0xFFFFFF90]  }
0x220: {  	v6 =	vld.idx.msk [tilespmem:v6+s3+$0x0], $0xffff  }
0x221: {  	v8 =	vld.idx.msk [tilespmem:v5+s3+$0x0], $0xffff  }
0x222: {  	v5 =	vld.idx.msk [tilespmem:v3+s3+$0x0], $0xffff  }
.Ltmp2:
0x223: {  	v3 =	vld.idx.msk [tilespmem:v0+s3+$0x0], $0xffff;
	(pc) =	sbr.rel @p1 .LBB2_6-.Ltmp2, $4  }
0x224: {  	v0 =	vld.idx.msk [tilespmem:v1+s3+$0x0], $0xffff  }
0x225: {  	s16 =	sadd.s32 $0x100, s16;
	v1 =	vld.idx.msk [tilespmem:v2+s3+$0x0], $0xffff  }
0x226: {  	v2 =	vld.idx.msk [tilespmem:v4+s3+$0x0], $0xffff;
	[tilespmem:s16+$0x0] =	vst v6  }
0x227: {  	s18 =	sadd.s32 $0x200, s18;
	v4 =	vld.idx.msk [tilespmem:v7+s3+$0x0], $0xffff;
	[tilespmem:s16+$0xFFFFFFA0] =	vst v8  }
0x228: {  	[tilespmem:s16+$0xFFFFFFB0] =	vst v5  }
0x229: {  	[tilespmem:s16+$0xFFFFFFC0] =	vst v3  }
0x22a: {  	[tilespmem:s16+$0xFFFFFFD0] =	vst v0  }
0x22b: {  	[tilespmem:s16+$0xFFFFFFE0] =	vst v1  }
0x22c: {  	s17 =	simm.s32 $0x1C780;
	[tilespmem:s16+$0xFFFFFFF0] =	vst v2  }
0x22d: {  	s19 =	sadd.s32 $0x0, s9;
	s18 =	simm.s32 $0x1C880;
	[tilespmem:s16+$0xFFFFFF90] =	vst v4;
	s16 =	simm.s32 $0x80  }
.LBB2_8:
0x22e: {  	[hbm4b:s19+s3] =	stream.linear.scatter [tilespmem:s17], [sflag:$0x3], $0x80, $0x38;
	[tilespmem:$0x1EB00] =	vst v63  }
0x22f: {  	s19 =	smov.u32 s16;
	s17 =	smov.u32 s18;
	p1 =	sne.s32 s16, $0xF80  }
.Ltmp3:
0x230: {  	s16 =	sadd.s32 $0x80, s16;
	(pc) =	sbr.rel @p1 .LBB2_8-.Ltmp3, $2  }
0x231: {  	_ =	sdelay $0x2  }
0x232: {  	s18 =	sadd.s32 $0x100, s18;
	s19 =	sadd.s32 s19, s9  }
0x233: {  	[hbm4b:s19+s3] =	stream.linear.scatter [tilespmem:s17], [sflag:$0x3], $0x80, $0x38;
	[tilespmem:$0x1EB00] =	vst v63  }
0x234: {  	_ =	swait.ge [sflag:s13], $0x1000  }
0x235: {  	[sflag:s13] =	ssyncset.done $0x0  }
0x236: {  	[sflag:s13] =	ssyncadd.s32 $0xFFFFF000  }
0x237: {  	_ =	swait.ge [sflag:s14], $0x1000  }
0x238: {  	[sflag:s14] =	ssyncset.done $0x0  }
0x239: {  	s16 =	simm.s32 $0x18870;
	[sflag:s14] =	ssyncadd.s32 $0xFFFFF000  }
0x23a: {  	v0 =	vld [tilespmem:s16+$0x0]  }
0x23b: {  	v1 =	vld [tilespmem:s16+$0xFFFFFFA0]  }
0x23c: {  	v2 =	vld [tilespmem:s16+$0xFFFFFFB0]  }
0x23d: {  	v3 =	vld [tilespmem:s16+$0xFFFFFFC0]  }
0x23e: {  	v4 =	vld [tilespmem:s16+$0xFFFFFFD0]  }
0x23f: {  	v6 =	vld [tilespmem:s16+$0xFFFFFFE0]  }
0x240: {  	v7 =	vld [tilespmem:s16+$0xFFFFFFF0]  }
0x241: {  	v8 =	vld [tilespmem:s16+$0xFFFFFF90]  }
0x242: {  	v9 =	vld.idx.msk [tilespmem:v0+s3+$0x0], $0xffff  }
0x243: {  	v10 =	vld.idx.msk [tilespmem:v1+s3+$0x0], $0xffff  }
0x244: {  	v5 =	vld.idx.msk [tilespmem:v2+s3+$0x0], $0xffff  }
0x245: {  	v3 =	vld.idx.msk [tilespmem:v3+s3+$0x0], $0xffff  }
0x246: {  	v0 =	vld.idx.msk [tilespmem:v4+s3+$0x0], $0xffff  }
0x247: {  	s16 =	simm.s32 $0x1C740;
	v1 =	vld.idx.msk [tilespmem:v6+s3+$0x0], $0xffff  }
0x248: {  	v2 =	vld.idx.msk [tilespmem:v7+s3+$0x0], $0xffff;
	[tilespmem:s16+$0x30] =	vst v9  }
0x249: {  	s17 =	simm.s32 $0x0;
	s18 =	simm.s32 $0x18A70;
	v4 =	vld.idx.msk [tilespmem:v8+s3+$0x0], $0xffff;
	[tilespmem:s16+$0xFFFFFFD0] =	vst v10  }
.LBB2_10:
0x24a: {  	v6 =	vld [tilespmem:s18+$0x0];
	s17 =	sadd.s32 $0x80, s17;
	[tilespmem:s16+$0xFFFFFFE0] =	vst v5  }
0x24b: {  	v5 =	vld [tilespmem:s18+$0xFFFFFFA0];
	p1 =	slt.u32 s17, $0xF80;
	[tilespmem:s16+$0xFFFFFFF0] =	vst v3  }
0x24c: {  	v3 =	vld [tilespmem:s18+$0xFFFFFFB0];
	[tilespmem:s16+$0x0] =	vst v0  }
0x24d: {  	v0 =	vld [tilespmem:s18+$0xFFFFFFC0];
	[tilespmem:s16+$0x10] =	vst v1  }
0x24e: {  	v1 =	vld [tilespmem:s18+$0xFFFFFFD0];
	[tilespmem:s16+$0x20] =	vst v2  }
0x24f: {  	v2 =	vld [tilespmem:s18+$0xFFFFFFE0];
	[tilespmem:s16+$0xFFFFFFC0] =	vst v4  }
0x250: {  	v4 =	vld [tilespmem:s18+$0xFFFFFFF0]  }
0x251: {  	v7 =	vld [tilespmem:s18+$0xFFFFFF90]  }
0x252: {  	v6 =	vld.idx.msk [tilespmem:v6+s3+$0x0], $0xffff  }
0x253: {  	v8 =	vld.idx.msk [tilespmem:v5+s3+$0x0], $0xffff  }
0x254: {  	v5 =	vld.idx.msk [tilespmem:v3+s3+$0x0], $0xffff  }
.Ltmp4:
0x255: {  	v3 =	vld.idx.msk [tilespmem:v0+s3+$0x0], $0xffff;
	(pc) =	sbr.rel @p1 .LBB2_10-.Ltmp4, $4  }
0x256: {  	v0 =	vld.idx.msk [tilespmem:v1+s3+$0x0], $0xffff  }
0x257: {  	s16 =	sadd.s32 $0x100, s16;
	v1 =	vld.idx.msk [tilespmem:v2+s3+$0x0], $0xffff  }
0x258: {  	v2 =	vld.idx.msk [tilespmem:v4+s3+$0x0], $0xffff;
	[tilespmem:s16+$0x30] =	vst v6  }
0x259: {  	s18 =	sadd.s32 $0x200, s18;
	v4 =	vld.idx.msk [tilespmem:v7+s3+$0x0], $0xffff;
	[tilespmem:s16+$0xFFFFFFD0] =	vst v8  }
0x25a: {  	[tilespmem:s16+$0xFFFFFFE0] =	vst v5  }
0x25b: {  	[tilespmem:s16+$0xFFFFFFF0] =	vst v3  }
0x25c: {  	[tilespmem:s16+$0x0] =	vst v0  }
0x25d: {  	[tilespmem:s16+$0x10] =	vst v1  }
0x25e: {  	s17 =	simm.s32 $0x1C700;
	[tilespmem:s16+$0x20] =	vst v2  }
0x25f: {  	s19 =	sadd.s32 $0x0, s10;
	s18 =	simm.s32 $0x1C800;
	[tilespmem:s16+$0xFFFFFFC0] =	vst v4;
	s16 =	simm.s32 $0x80  }
.LBB2_12:
0x260: {  	[hbm4b:s19+s3] =	stream.linear.scatter [tilespmem:s17], [sflag:$0x3], $0x80, $0x38;
	[tilespmem:$0x1EB00] =	vst v63  }
0x261: {  	s19 =	smov.u32 s16;
	s17 =	smov.u32 s18;
	p1 =	sne.s32 s16, $0xF80  }
.Ltmp5:
0x262: {  	s16 =	sadd.s32 $0x80, s16;
	(pc) =	sbr.rel @p1 .LBB2_12-.Ltmp5, $2  }
0x263: {  	_ =	sdelay $0x2  }
0x264: {  	s18 =	sadd.s32 $0x100, s18;
	s19 =	sadd.s32 s19, s10  }
0x265: {  	[hbm4b:s19+s3] =	stream.linear.scatter [tilespmem:s17], [sflag:$0x3], $0x80, $0x38;
	[tilespmem:$0x1EB00] =	vst v63  }
0x266: {  	_ =	swait.ge [sflag:s13], $0x1000  }
0x267: {  	[sflag:s13] =	ssyncset.done $0x0  }
0x268: {  	[sflag:s13] =	ssyncadd.s32 $0xFFFFF000  }
0x269: {  	_ =	swait.ge [sflag:s14], $0x1000  }
0x26a: {  	[sflag:s14] =	ssyncset.done $0x0  }
0x26b: {  	s16 =	simm.s32 $0x188F0;
	[sflag:s14] =	ssyncadd.s32 $0xFFFFF000  }
0x26c: {  	v0 =	vld [tilespmem:s16+$0x0]  }
0x26d: {  	v1 =	vld [tilespmem:s16+$0xFFFFFFA0]  }
0x26e: {  	v2 =	vld [tilespmem:s16+$0xFFFFFFB0]  }
0x26f: {  	v3 =	vld [tilespmem:s16+$0xFFFFFFC0]  }
0x270: {  	v4 =	vld [tilespmem:s16+$0xFFFFFFD0]  }
0x271: {  	v6 =	vld [tilespmem:s16+$0xFFFFFFE0]  }
0x272: {  	v7 =	vld [tilespmem:s16+$0xFFFFFFF0]  }
0x273: {  	v8 =	vld [tilespmem:s16+$0xFFFFFF90]  }
0x274: {  	v9 =	vld.idx.msk [tilespmem:v0+s3+$0x0], $0xffff  }
0x275: {  	v10 =	vld.idx.msk [tilespmem:v1+s3+$0x0], $0xffff  }
0x276: {  	v5 =	vld.idx.msk [tilespmem:v2+s3+$0x0], $0xffff  }
0x277: {  	v3 =	vld.idx.msk [tilespmem:v3+s3+$0x0], $0xffff  }
0x278: {  	v0 =	vld.idx.msk [tilespmem:v4+s3+$0x0], $0xffff  }
0x279: {  	s16 =	simm.s32 $0x1C7F0;
	v1 =	vld.idx.msk [tilespmem:v6+s3+$0x0], $0xffff  }
0x27a: {  	v2 =	vld.idx.msk [tilespmem:v7+s3+$0x0], $0xffff;
	[tilespmem:s16+$0x0] =	vst v9  }
0x27b: {  	s17 =	simm.s32 $0x0;
	s18 =	simm.s32 $0x18AF0;
	v4 =	vld.idx.msk [tilespmem:v8+s3+$0x0], $0xffff;
	[tilespmem:s16+$0xFFFFFFA0] =	vst v10  }
.LBB2_14:
0x27c: {  	v6 =	vld [tilespmem:s18+$0x0];
	s17 =	sadd.s32 $0x80, s17;
	[tilespmem:s16+$0xFFFFFFB0] =	vst v5  }
0x27d: {  	v5 =	vld [tilespmem:s18+$0xFFFFFFA0];
	p1 =	slt.u32 s17, $0xF80;
	[tilespmem:s16+$0xFFFFFFC0] =	vst v3  }
0x27e: {  	v3 =	vld [tilespmem:s18+$0xFFFFFFB0];
	[tilespmem:s16+$0xFFFFFFD0] =	vst v0  }
0x27f: {  	v0 =	vld [tilespmem:s18+$0xFFFFFFC0];
	[tilespmem:s16+$0xFFFFFFE0] =	vst v1  }
0x280: {  	v1 =	vld [tilespmem:s18+$0xFFFFFFD0];
	[tilespmem:s16+$0xFFFFFFF0] =	vst v2  }
0x281: {  	v2 =	vld [tilespmem:s18+$0xFFFFFFE0];
	[tilespmem:s16+$0xFFFFFF90] =	vst v4  }
0x282: {  	v4 =	vld [tilespmem:s18+$0xFFFFFFF0]  }
0x283: {  	v7 =	vld [tilespmem:s18+$0xFFFFFF90]  }
0x284: {  	v6 =	vld.idx.msk [tilespmem:v6+s3+$0x0], $0xffff  }
0x285: {  	v8 =	vld.idx.msk [tilespmem:v5+s3+$0x0], $0xffff  }
0x286: {  	v5 =	vld.idx.msk [tilespmem:v3+s3+$0x0], $0xffff  }
.Ltmp6:
0x287: {  	v3 =	vld.idx.msk [tilespmem:v0+s3+$0x0], $0xffff;
	(pc) =	sbr.rel @p1 .LBB2_14-.Ltmp6, $4  }
0x288: {  	v0 =	vld.idx.msk [tilespmem:v1+s3+$0x0], $0xffff  }
0x289: {  	s16 =	sadd.s32 $0x100, s16;
	v1 =	vld.idx.msk [tilespmem:v2+s3+$0x0], $0xffff  }
0x28a: {  	v2 =	vld.idx.msk [tilespmem:v4+s3+$0x0], $0xffff;
	[tilespmem:s16+$0x0] =	vst v6  }
0x28b: {  	s18 =	sadd.s32 $0x200, s18;
	v4 =	vld.idx.msk [tilespmem:v7+s3+$0x0], $0xffff;
	[tilespmem:s16+$0xFFFFFFA0] =	vst v8  }
0x28c: {  	[tilespmem:s16+$0xFFFFFFB0] =	vst v5  }
0x28d: {  	[tilespmem:s16+$0xFFFFFFC0] =	vst v3  }
0x28e: {  	[tilespmem:s16+$0xFFFFFFD0] =	vst v0  }
0x28f: {  	[tilespmem:s16+$0xFFFFFFE0] =	vst v1  }
0x290: {  	s17 =	simm.s32 $0x1C780;
	[tilespmem:s16+$0xFFFFFFF0] =	vst v2  }
0x291: {  	s19 =	sadd.s32 $0x0, s11;
	s18 =	simm.s32 $0x1C880;
	[tilespmem:s16+$0xFFFFFF90] =	vst v4;
	s16 =	simm.s32 $0x80  }
.LBB2_16:
0x292: {  	[hbm4b:s19+s3] =	stream.linear.scatter [tilespmem:s17], [sflag:$0x3], $0x80, $0x38;
	[tilespmem:$0x1EB00] =	vst v63  }
0x293: {  	s19 =	smov.u32 s16;
	s17 =	smov.u32 s18;
	p1 =	sne.s32 s16, $0xF80  }
.Ltmp7:
0x294: {  	s16 =	sadd.s32 $0x80, s16;
	(pc) =	sbr.rel @p1 .LBB2_16-.Ltmp7, $2  }
0x295: {  	_ =	sdelay $0x2  }
0x296: {  	s18 =	sadd.s32 $0x100, s18;
	s19 =	sadd.s32 s19, s11  }
0x297: {  	[hbm4b:s19+s3] =	stream.linear.scatter [tilespmem:s17], [sflag:$0x3], $0x80, $0x38;
	[tilespmem:$0x1EB00] =	vst v63  }
0x298: {  	_ =	swait.ge [sflag:s14], $0x1000  }
0x299: {  	[sflag:s14] =	ssyncset.done $0x0  }
0x29a: {  	[sflag:s14] =	ssyncadd.s32 $0xFFFFF000  }
0x29b: {  	_ =	swait.ge [sflag:s14], $0x1000  }
0x29c: {  	s15 =	sadd.s32 $0x1, s15;
	s16 =	rddreg [dreg:$0x9]  }
0x29d: {  	p1 =	sne.s32 s15, s16  }
.Ltmp8:
0x29e: {  	_ = 	snop;
	(pc) =	sbr.rel @p1 .LBB2_1-.Ltmp8, $3  }
0x29f: {  	_ =	sdelay $0x1  }
0x2a0: {  	[sflag:s14] =	ssyncset.done $0x0  }
0x2a1: {  	[sflag:s14] =	ssyncadd.s32 $0xFFFFF000  }
0x2a2: {  	_ =	sfence.sel $0x180000  }
0x2a3: {  	[bflag:$0x0] =	sbarrier.arrive $0xFFFF  }
0x2a4: {  	_ =	strace $0x90000047  }
0x2a5: {  	[bflag:$0x2] =	sbarrier.arrive $0xFFFF  }
0x2a6: {  	s0 =	rddreg [dreg:$0x4]  }
0x2a7: {  	s0 =	sadd.s32 @!p0 $0x100000, s0  }
0x2a8: {  	[sflag:s0] =	ssyncadd.tile.s32 @!p0 $0x1;
	_ =	shalt  }
.Lfunc_end2:
_tile_overlayer_lowered:
.L_overlay_start_2:
0x2a9: {  	(tag) =	ssettag $0x2  }
0x2aa: {  	s0 =	rddreg [dreg:$0x0];
	s2 =	stileid.u32  }
0x2ab: {  	s1 =	rddreg [dreg:$0x1];
	p0 =	sne.s32 s2, $0x0  }
0x2ac: {  	s3 =	rddreg [dreg:$0x2];
	[bflag:$0x3] =	sbarrier.arrive $0xFFFF;
	s2 =	simm.s32 @!p0 $0x1C04  }
0x2ad: {  	[timem:s3], [sflag:s2] =	dma.local @!p0 [hbm:s0], s1  }
0x2ae: {  	s0 =	simm.s32 @!p0 $0x4  }
0x2af: {  	_ =	swait.ge @!p0 [sflag:s0], s1  }
0x2b0: {  	s1 =	ssub.s32 @!p0 $0x0, s1;
	[sflag:s0] =	ssyncset.done @!p0 $0x0  }
0x2b1: {  	[sflag:s0] =	ssyncadd.s32 @!p0 s1  }
0x2b2: {  	[bflag:$0x3] =	sbarrier.arrive $0xFFFF  }
0x2b3: {  	_ =	shalt  }

</sc_bundles>
